<compile_context>
chip_gen: v7x
topology: tpu7x:2x2x1
jax: 0.10.2.dev20260603
libtpu: 0.0.44.dev20260713+nightly
codegen_flags: <defaults>
</compile_context>

<pallas_src>
import functools

import jax
import jax.numpy as jnp
from jax import lax
from jax.experimental import pallas as pl
from jax.experimental.pallas import tpu as pltpu
from jax.experimental.pallas import tpu_sc as plsc

S, IN_F, OUT_F, E = 2048, 768, 768, 8
EPAD = 128
T = 256
NB = 16
SPAD = NB * T
RBLK = 128

NC, NS = 2, 16
NW = NC * NS
ROWS_W = S // NW


def _plan_body(x_ref, rw_ref, w_ref,
               xw_ref, wr_ref, dest_ref, be_ref, nb_ref, rank_ref):
    x = x_ref[...]
    logits = lax.dot_general(x, rw_ref[...], (((1,), (1,)), ((), ())),
                             preferred_element_type=jnp.float32)
    col = lax.broadcasted_iota(jnp.int32, (S, EPAD), 1)
    lg = jnp.where(col < E, logits, jnp.float32(-1e30))
    m = jnp.max(lg, axis=1, keepdims=True)
    denom = jnp.sum(jnp.exp(lg - m), axis=1, keepdims=True)
    top1w = 1.0 / denom
    idx = jnp.min(jnp.where(lg >= m, col, EPAD), axis=1, keepdims=True)
    oh = (col == idx).astype(jnp.float32)

    xw_ref[...] = x * top1w
    wr_ref[...] = jnp.clip(jnp.round(w_ref[...] * 2.0), -1.0, 1.0)

    ri = lax.broadcasted_iota(jnp.int32, (RBLK, RBLK), 0)
    ci = lax.broadcasted_iota(jnp.int32, (RBLK, RBLK), 1)
    ltri = (ri > ci).astype(jnp.float32)
    running = jnp.zeros((1, EPAD), jnp.float32)
    for b in range(S // RBLK):
        blk = oh[b * RBLK:(b + 1) * RBLK, :]
        r = lax.dot_general(ltri, blk, (((1,), (0,)), ((), ())),
                            preferred_element_type=jnp.float32) + running
        rank_ref[b * RBLK:(b + 1) * RBLK, :] = (
            jnp.sum(r * blk, axis=1, keepdims=True))
        running = running + jnp.sum(blk, axis=0, keepdims=True)
    counts = running

    tf = jnp.float32(T)
    pc = jnp.floor((counts + (tf - 1.0)) / tf) * tf
    ui = lax.broadcasted_iota(jnp.int32, (EPAD, EPAD), 0)
    uj = lax.broadcasted_iota(jnp.int32, (EPAD, EPAD), 1)
    utri = (ui < uj).astype(jnp.float32)
    pad_off = lax.dot_general(pc, utri, (((1,), (0,)), ((), ())),
                              preferred_element_type=jnp.float32)

    po_tok = jnp.sum(oh * pad_off, axis=1, keepdims=True)
    dest_ref[...] = (po_tok + rank_ref[...]).astype(jnp.int32)

    nbrow = lax.broadcasted_iota(jnp.int32, (NB, EPAD), 0).astype(jnp.float32)
    lane = lax.broadcasted_iota(jnp.int32, (NB, EPAD), 1)
    pbase = pad_off / tf
    pcap = pc / tf
    mfit = (nbrow >= pbase) & (nbrow < pbase + pcap)
    be_ref[...] = jnp.sum(
        jnp.where(mfit, lane, 0), axis=1, keepdims=True).astype(jnp.int32)
    nb_ref[...] = jnp.sum(pcap, axis=1, keepdims=True).astype(jnp.int32)


def _plan_call(x2, rw_pad, weight, interpret=False):
    return pl.pallas_call(
        _plan_body,
        out_shape=(
            jax.ShapeDtypeStruct((S, IN_F), jnp.float32),
            jax.ShapeDtypeStruct((OUT_F, IN_F), jnp.float32),
            jax.ShapeDtypeStruct((S, 1), jnp.int32),
            jax.ShapeDtypeStruct((NB, 1), jnp.int32),
            jax.ShapeDtypeStruct((1, 1), jnp.int32),
        ),
        scratch_shapes=[pltpu.VMEM((S, 1), jnp.float32)],
        interpret=interpret,
    )(x2, rw_pad, weight)


def _mm_body(be_ref, nb_ref, xs_ref, wr_ref, scale_ref, masks_ref, o_ref):
    @pl.when(pl.program_id(0) < nb_ref[0])
    def _():
        wm = wr_ref[...] * masks_ref[0]
        y = lax.dot_general(xs_ref[...], wm, (((1,), (1,)), ((), ())),
                            preferred_element_type=jnp.float32)
        o_ref[...] = y * scale_ref[...]


def _mm_call(be, nb, xs, wr, scale_row, masks, interpret=False):
    grid_spec = pltpu.PrefetchScalarGridSpec(
        num_scalar_prefetch=2,
        grid=(NB,),
        in_specs=[
            pl.BlockSpec((T, IN_F), lambda b, be_r, nb_r: (b, 0)),
            pl.BlockSpec((OUT_F, IN_F), lambda b, be_r, nb_r: (0, 0)),
            pl.BlockSpec((1, OUT_F), lambda b, be_r, nb_r: (0, 0)),
            pl.BlockSpec((1, OUT_F, IN_F),
                         lambda b, be_r, nb_r: (be_r[b], 0, 0)),
        ],
        out_specs=pl.BlockSpec((T, OUT_F), lambda b, be_r, nb_r: (b, 0)),
    )
    return pl.pallas_call(
        _mm_body,
        grid_spec=grid_spec,
        out_shape=jax.ShapeDtypeStruct((SPAD, OUT_F), jnp.float32),
        interpret=interpret,
    )(be, nb, xs, wr, scale_row, masks)


def _sc_mesh():
    return plsc.VectorSubcoreMesh(core_axis_name="c", subcore_axis_name="s")


def _scatter_call(xw, dest):
    @functools.partial(
        pl.kernel,
        mesh=_sc_mesh(),
        out_type=jax.ShapeDtypeStruct((SPAD, IN_F), jnp.float32),
        scratch_types=[
            pltpu.VMEM((ROWS_W,), jnp.int32),
            pltpu.VMEM((ROWS_W, IN_F), jnp.float32),
            pltpu.SemaphoreType.DMA,
        ],
    )
    def k(xw_hbm, dest_hbm, xs_hbm, idx_v, rows_v, sem):
        wid = lax.axis_index("s") * NC + lax.axis_index("c")
        base = wid * ROWS_W
        pltpu.sync_copy(dest_hbm.at[pl.ds(base, ROWS_W)], idx_v)
        pltpu.sync_copy(xw_hbm.at[pl.ds(base, ROWS_W)], rows_v)
        pltpu.async_copy(rows_v, xs_hbm.at[idx_v], sem).wait()

    return k(xw, dest)


def _gather_call(ys, dest):
    @functools.partial(
        pl.kernel,
        mesh=_sc_mesh(),
        out_type=jax.ShapeDtypeStruct((S, OUT_F), jnp.float32),
        scratch_types=[
            pltpu.VMEM((ROWS_W,), jnp.int32),
            pltpu.VMEM((ROWS_W, OUT_F), jnp.float32),
            pltpu.SemaphoreType.DMA,
        ],
    )
    def k(ys_hbm, dest_hbm, out_hbm, idx_v, rows_v, sem):
        wid = lax.axis_index("s") * NC + lax.axis_index("c")
        base = wid * ROWS_W
        pltpu.sync_copy(dest_hbm.at[pl.ds(base, ROWS_W)], idx_v)
        pltpu.async_copy(ys_hbm.at[idx_v], rows_v, sem).wait()
        pltpu.sync_copy(rows_v, out_hbm.at[pl.ds(base, ROWS_W)])

    return k(ys, dest)


@jax.jit
def kernel(x, weight, scale, threshold, expert_masks, router_w):
    del threshold
    x2 = x.reshape(S, IN_F)
    rw_pad = jnp.zeros((EPAD, IN_F), jnp.float32).at[:E].set(router_w)
    scale_row = scale.reshape(1, OUT_F)

    xw, wr, dest, be, nb = _plan_call(x2, rw_pad, weight)
    dest1 = dest.reshape(S)
    xs = _scatter_call(xw, dest1)
    ys = _mm_call(be.reshape(NB), nb.reshape(1), xs, wr, scale_row,
                  expert_masks)
    out = _gather_call(ys, dest1)
    return out.reshape(1, S, OUT_F)

# --- scband reference (transcript-rebuilt; emitter-appended) ---
"""Pipeline reference for scband-value-mo-e-37391985279698 (READ-ONLY COPY).

The authoritative reference and input builder live on the scoring server;
editing this copy changes nothing except your own understanding.
"""

import jax, jax.numpy as jnp
import numpy as np

B, S, IN_F, OUT_F, E = 1, 2048, 768, 768, 8


def setup_inputs(seed: int = 0) -> dict:
    key = jax.random.key(seed)
    ks = jax.random.split(key, 5)
    x = jax.random.normal(ks[0], (B, S, IN_F), dtype=jnp.float32)
    # kaiming_uniform_ default: gain=sqrt(2), bound = sqrt(6 / fan_in)
    bound = float(np.sqrt(6.0 / IN_F))
    weight = jax.random.uniform(ks[1], (OUT_F, IN_F), minval=-bound, maxval=bound, dtype=jnp.float32)
    scale = jnp.ones((OUT_F,), dtype=jnp.float32)
    threshold = jnp.asarray(0.35, dtype=jnp.float32)
    expert_masks = (jax.random.uniform(ks[2], (E, OUT_F, IN_F)) < 0.3).astype(jnp.float32)
    router_w = 0.01 * jax.random.normal(ks[3], (E, IN_F), dtype=jnp.float32)
    return {"x": x, "weight": weight, "scale": scale, "threshold": threshold,
            "expert_masks": expert_masks, "router_w": router_w}


def reference(x, weight, scale, threshold, expert_masks, router_w):
    # Router (top-1)
    logits = jnp.einsum('bsi,ei->bse', x, router_w)
    probs = jax.nn.softmax(logits, axis=-1)
    top1_weights = jnp.max(probs, axis=-1)          # (B, S)
    top1_indices = jnp.argmax(probs, axis=-1)       # (B, S)
    # TrainState.threshold() at step 0 -> thresh_start = 0.5 (current_thresh > 0 path)
    t = 0.5
    w_round = jnp.clip(jnp.round(weight / t), -1.0, 1.0)
    # straight-through estimator (identity grad to weight)
    w_q = weight + jax.lax.stop_gradient(w_round - weight)
    w_scaled = w_q * scale[:, None]                 # (OUT, IN)
    # per-expert masked weights, applied to all tokens then gathered (faithful to torch loop)
    w_exp = w_scaled[None, :, :] * expert_masks     # (E, OUT, IN)
    out_all = jnp.einsum('bsi,eoi->bseo', x, w_exp) # (B, S, E, OUT)
    idx = top1_indices[..., None, None]             # (B, S, 1, 1)
    sel = jnp.take_along_axis(out_all, idx, axis=2)[:, :, 0, :]  # (B, S, OUT)
    output = sel * top1_weights[..., None]
    return output

if __name__ == "__main__":
    import jax
    _d = setup_inputs()
    print(jax.jit(kernel)(*tuple(_d.values())))

</pallas_src>

<mosaic_0001>
#map = affine_map<(d0, d1) -> (0, 0)>
#map1 = affine_map<(d0, d1) -> (0)>
module attributes {stable_mosaic.version = 14 : i64} {
  func.func @k(%arg0: i32, %arg1: i32, %arg2: memref<4096x768xf32, #tpu.memory_space<hbm>>, %arg3: memref<2048xi32, #tpu.memory_space<hbm>>, %arg4: memref<2048x768xf32, #tpu.memory_space<hbm>>, %arg5: memref<64xi32, #tpu.memory_space<vmem>>, %arg6: memref<64x768xf32, #tpu.memory_space<vmem>>, %arg7: memref<!tpu.dma_semaphore, #tpu.memory_space<semaphore_mem>>) attributes {dimension_semantics = [#tpu.dimension_semantics<core_parallel>, #tpu.dimension_semantics<subcore_parallel>], iteration_bounds = array<i64: 2, 16>, scalar_prefetch = 0 : i64, scratch_operands = 3 : i64, tpu.core_type = #tpu.core_type<sc_vector_subcore>, window_params = [{transform_indices = #map}, {transform_indices = #map1}, {transform_indices = #map}]} {
    %mul3A = arith.constant 2 : i32
    %mul3A_0 = arith.muli %arg1, %mul3A : i32
    %add3A = arith.addi %mul3A_0, %arg0 : i32
    %mul3A_1 = arith.constant 64 : i32
    %mul3A_2 = arith.muli %add3A, %mul3A_1 : i32
    "tpu.region"() ({
      %run_scoped3A = tpu.sem_alloc : memref<!tpu.dma_semaphore, #tpu.memory_space<semaphore_mem>>
      %dma_start3A_7 = tpu.memref_slice %arg3[%mul3A_2] : memref<2048xi32, #tpu.memory_space<hbm>> -> memref<64xi32, #tpu.memory_space<hbm>>
      %dma_start3A_8 = tpu.memref_slice %arg3[%mul3A_2] : memref<2048xi32, #tpu.memory_space<hbm>> -> memref<64xi32, #tpu.memory_space<hbm>>
      tpu.enqueue_dma source(%dma_start3A_8 : memref<64xi32, #tpu.memory_space<hbm>>) target(%arg5 : memref<64xi32, #tpu.memory_space<vmem>>) target_semaphore(%run_scoped3A : memref<!tpu.dma_semaphore, #tpu.memory_space<semaphore_mem>>)
      %dma_wait3A_9 = tpu.memref_slice %arg3[%mul3A_2] : memref<2048xi32, #tpu.memory_space<hbm>> -> memref<64xi32, #tpu.memory_space<hbm>>
      %dma_wait3A_10 = tpu.memref_slice %arg3[%mul3A_2] : memref<2048xi32, #tpu.memory_space<hbm>> -> memref<64xi32, #tpu.memory_space<hbm>>
      tpu.wait_dma2 semaphore(%run_scoped3A : memref<!tpu.dma_semaphore, #tpu.memory_space<semaphore_mem>>) src(%dma_wait3A_10 : memref<64xi32, #tpu.memory_space<hbm>>) dst(%arg5 : memref<64xi32, #tpu.memory_space<vmem>>)
      tpu.yield
    }) : () -> ()
    %dma_start3A = arith.constant 0 : i32
    %dma_start3A_3 = arith.constant 0 : i32
    %dma_start3A_4 = tpu.memref_slice %arg2[%dma_start3A, %dma_start3A_3] : memref<4096x768xf32, #tpu.memory_space<hbm>> -> memref<4096x768xf32, #tpu.memory_space<hbm>>
    tpu.enqueue_indirect_dma source(%dma_start3A_4 : memref<4096x768xf32, #tpu.memory_space<hbm>>) target(%arg6 : memref<64x768xf32, #tpu.memory_space<vmem>>) offsets(%arg5 : memref<64xi32, #tpu.memory_space<vmem>>) semaphore(%arg7 : memref<!tpu.dma_semaphore, #tpu.memory_space<semaphore_mem>>)
    %dma_wait3A = arith.constant 0 : i32
    %dma_wait3A_5 = arith.constant 0 : i32
    %dma_wait3A_6 = tpu.memref_slice %arg2[%dma_wait3A, %dma_wait3A_5] : memref<4096x768xf32, #tpu.memory_space<hbm>> -> memref<4096x768xf32, #tpu.memory_space<hbm>>
    tpu.wait_indirect_dma semaphore(%arg7 : memref<!tpu.dma_semaphore, #tpu.memory_space<semaphore_mem>>) src(%dma_wait3A_6 : memref<4096x768xf32, #tpu.memory_space<hbm>>) dst(%arg6 : memref<64x768xf32, #tpu.memory_space<vmem>>)
    "tpu.region"() ({
      %run_scoped3A = tpu.sem_alloc : memref<!tpu.dma_semaphore, #tpu.memory_space<semaphore_mem>>
      %dma_start3A_7 = arith.constant 0 : i32
      %dma_start3A_8 = tpu.memref_slice %arg4[%mul3A_2, %dma_start3A_7] : memref<2048x768xf32, #tpu.memory_space<hbm>> -> memref<64x768xf32, #tpu.memory_space<hbm>>
      %dma_start3A_9 = arith.constant 0 : i32
      %dma_start3A_10 = tpu.memref_slice %arg4[%mul3A_2, %dma_start3A_9] : memref<2048x768xf32, #tpu.memory_space<hbm>> -> memref<64x768xf32, #tpu.memory_space<hbm>>
      tpu.enqueue_dma source(%arg6 : memref<64x768xf32, #tpu.memory_space<vmem>>) target(%dma_start3A_10 : memref<64x768xf32, #tpu.memory_space<hbm>>) target_semaphore(%run_scoped3A : memref<!tpu.dma_semaphore, #tpu.memory_space<semaphore_mem>>)
      %dma_wait3A_11 = arith.constant 0 : i32
      %dma_wait3A_12 = tpu.memref_slice %arg4[%mul3A_2, %dma_wait3A_11] : memref<2048x768xf32, #tpu.memory_space<hbm>> -> memref<64x768xf32, #tpu.memory_space<hbm>>
      %dma_wait3A_13 = arith.constant 0 : i32
      %dma_wait3A_14 = tpu.memref_slice %arg4[%mul3A_2, %dma_wait3A_13] : memref<2048x768xf32, #tpu.memory_space<hbm>> -> memref<64x768xf32, #tpu.memory_space<hbm>>
      tpu.wait_dma2 semaphore(%run_scoped3A : memref<!tpu.dma_semaphore, #tpu.memory_space<semaphore_mem>>) src(%arg6 : memref<64x768xf32, #tpu.memory_space<vmem>>) dst(%dma_wait3A_14 : memref<64x768xf32, #tpu.memory_space<hbm>>)
      tpu.yield
    }) : () -> ()
    return
  }
}

#map = affine_map<(d0, d1) -> (0, 0)>
#map1 = affine_map<(d0, d1) -> (0)>
module attributes {stable_mosaic.version = 14 : i64} {
  func.func @k(%arg0: i32, %arg1: i32, %arg2: memref<2048x768xf32, #tpu.memory_space<hbm>>, %arg3: memref<2048xi32, #tpu.memory_space<hbm>>, %arg4: memref<4096x768xf32, #tpu.memory_space<hbm>>, %arg5: memref<64xi32, #tpu.memory_space<vmem>>, %arg6: memref<64x768xf32, #tpu.memory_space<vmem>>, %arg7: memref<!tpu.dma_semaphore, #tpu.memory_space<semaphore_mem>>) attributes {dimension_semantics = [#tpu.dimension_semantics<core_parallel>, #tpu.dimension_semantics<subcore_parallel>], iteration_bounds = array<i64: 2, 16>, scalar_prefetch = 0 : i64, scratch_operands = 3 : i64, tpu.core_type = #tpu.core_type<sc_vector_subcore>, window_params = [{transform_indices = #map}, {transform_indices = #map1}, {transform_indices = #map}]} {
    %mul3A = arith.constant 2 : i32
    %mul3A_0 = arith.muli %arg1, %mul3A : i32
    %add3A = arith.addi %mul3A_0, %arg0 : i32
    %mul3A_1 = arith.constant 64 : i32
    %mul3A_2 = arith.muli %add3A, %mul3A_1 : i32
    "tpu.region"() ({
      %run_scoped3A = tpu.sem_alloc : memref<!tpu.dma_semaphore, #tpu.memory_space<semaphore_mem>>
      %dma_start3A_7 = tpu.memref_slice %arg3[%mul3A_2] : memref<2048xi32, #tpu.memory_space<hbm>> -> memref<64xi32, #tpu.memory_space<hbm>>
      %dma_start3A_8 = tpu.memref_slice %arg3[%mul3A_2] : memref<2048xi32, #tpu.memory_space<hbm>> -> memref<64xi32, #tpu.memory_space<hbm>>
      tpu.enqueue_dma source(%dma_start3A_8 : memref<64xi32, #tpu.memory_space<hbm>>) target(%arg5 : memref<64xi32, #tpu.memory_space<vmem>>) target_semaphore(%run_scoped3A : memref<!tpu.dma_semaphore, #tpu.memory_space<semaphore_mem>>)
      %dma_wait3A_9 = tpu.memref_slice %arg3[%mul3A_2] : memref<2048xi32, #tpu.memory_space<hbm>> -> memref<64xi32, #tpu.memory_space<hbm>>
      %dma_wait3A_10 = tpu.memref_slice %arg3[%mul3A_2] : memref<2048xi32, #tpu.memory_space<hbm>> -> memref<64xi32, #tpu.memory_space<hbm>>
      tpu.wait_dma2 semaphore(%run_scoped3A : memref<!tpu.dma_semaphore, #tpu.memory_space<semaphore_mem>>) src(%dma_wait3A_10 : memref<64xi32, #tpu.memory_space<hbm>>) dst(%arg5 : memref<64xi32, #tpu.memory_space<vmem>>)
      tpu.yield
    }) : () -> ()
    "tpu.region"() ({
      %run_scoped3A = tpu.sem_alloc : memref<!tpu.dma_semaphore, #tpu.memory_space<semaphore_mem>>
      %dma_start3A_7 = arith.constant 0 : i32
      %dma_start3A_8 = tpu.memref_slice %arg2[%mul3A_2, %dma_start3A_7] : memref<2048x768xf32, #tpu.memory_space<hbm>> -> memref<64x768xf32, #tpu.memory_space<hbm>>
      %dma_start3A_9 = arith.constant 0 : i32
      %dma_start3A_10 = tpu.memref_slice %arg2[%mul3A_2, %dma_start3A_9] : memref<2048x768xf32, #tpu.memory_space<hbm>> -> memref<64x768xf32, #tpu.memory_space<hbm>>
      tpu.enqueue_dma source(%dma_start3A_10 : memref<64x768xf32, #tpu.memory_space<hbm>>) target(%arg6 : memref<64x768xf32, #tpu.memory_space<vmem>>) target_semaphore(%run_scoped3A : memref<!tpu.dma_semaphore, #tpu.memory_space<semaphore_mem>>)
      %dma_wait3A_11 = arith.constant 0 : i32
      %dma_wait3A_12 = tpu.memref_slice %arg2[%mul3A_2, %dma_wait3A_11] : memref<2048x768xf32, #tpu.memory_space<hbm>> -> memref<64x768xf32, #tpu.memory_space<hbm>>
      %dma_wait3A_13 = arith.constant 0 : i32
      %dma_wait3A_14 = tpu.memref_slice %arg2[%mul3A_2, %dma_wait3A_13] : memref<2048x768xf32, #tpu.memory_space<hbm>> -> memref<64x768xf32, #tpu.memory_space<hbm>>
      tpu.wait_dma2 semaphore(%run_scoped3A : memref<!tpu.dma_semaphore, #tpu.memory_space<semaphore_mem>>) src(%dma_wait3A_14 : memref<64x768xf32, #tpu.memory_space<hbm>>) dst(%arg6 : memref<64x768xf32, #tpu.memory_space<vmem>>)
      tpu.yield
    }) : () -> ()
    %dma_start3A = arith.constant 0 : i32
    %dma_start3A_3 = arith.constant 0 : i32
    %dma_start3A_4 = tpu.memref_slice %arg4[%dma_start3A, %dma_start3A_3] : memref<4096x768xf32, #tpu.memory_space<hbm>> -> memref<4096x768xf32, #tpu.memory_space<hbm>>
    tpu.enqueue_indirect_dma source(%arg6 : memref<64x768xf32, #tpu.memory_space<vmem>>) target(%dma_start3A_4 : memref<4096x768xf32, #tpu.memory_space<hbm>>) offsets(%arg5 : memref<64xi32, #tpu.memory_space<vmem>>) semaphore(%arg7 : memref<!tpu.dma_semaphore, #tpu.memory_space<semaphore_mem>>)
    %dma_wait3A = arith.constant 0 : i32
    %dma_wait3A_5 = arith.constant 0 : i32
    %dma_wait3A_6 = tpu.memref_slice %arg4[%dma_wait3A, %dma_wait3A_5] : memref<4096x768xf32, #tpu.memory_space<hbm>> -> memref<4096x768xf32, #tpu.memory_space<hbm>>
    tpu.wait_indirect_dma semaphore(%arg7 : memref<!tpu.dma_semaphore, #tpu.memory_space<semaphore_mem>>) src(%arg6 : memref<64x768xf32, #tpu.memory_space<vmem>>) dst(%dma_wait3A_6 : memref<4096x768xf32, #tpu.memory_space<hbm>>)
    return
  }
}

module attributes {stable_mosaic.version = 14 : i64} {
  func.func @_plan_body(%arg0: memref<2048x768xf32, #tpu.memory_space<vmem>>, %arg1: memref<128x768xf32, #tpu.memory_space<vmem>>, %arg2: memref<768x768xf32, #tpu.memory_space<vmem>>, %arg3: memref<2048x768xf32, #tpu.memory_space<vmem>>, %arg4: memref<768x768xf32, #tpu.memory_space<vmem>>, %arg5: memref<2048x1xi32, #tpu.memory_space<vmem>>, %arg6: memref<16x1xi32, #tpu.memory_space<vmem>>, %arg7: memref<1x1xi32, #tpu.memory_space<vmem>>, %arg8: memref<2048x1xf32, #tpu.memory_space<vmem>>) attributes {dimension_semantics = [], scalar_prefetch = 0 : i64, scratch_operands = 1 : i64, tpu.core_type = #tpu.core_type<tc>} {
    %get3A = arith.constant 0 : index
    %get3A_0 = arith.constant 0 : index
    %get3A_1 = vector.load %arg0[%get3A, %get3A_0] : memref<2048x768xf32, #tpu.memory_space<vmem>>, vector<2048x768xf32>
    %get3A_2 = arith.constant 0 : index
    %get3A_3 = arith.constant 0 : index
    %get3A_4 = vector.load %arg1[%get3A_2, %get3A_3] : memref<128x768xf32, #tpu.memory_space<vmem>>, vector<128x768xf32>
    %dot_general3A = arith.constant dense<0.000000e+00> : vector<2048x128xf32>
    %dot_general3A_5 = tpu.matmul %get3A_1, %get3A_4, %dot_general3A {dimension_numbers = #tpu.dot_dimension_numbers<[1], [1], [0], [0], [0, 0, 1, 0], [], []>, transpose_lhs_hint = false} : vector<2048x768xf32>, vector<128x768xf32>, vector<2048x128xf32> -> vector<2048x128xf32>
    %iota3A = tpu.iota {dimensions = array<i32: 1>} : vector<2048x128xi32>
    %lt3A = arith.constant 8 : i32
    %lt3A_6 = vector.broadcast %lt3A : i32 to vector<2048x128xi32>
    %lt3A_7 = arith.cmpi slt, %iota3A, %lt3A_6 : vector<2048x128xi32>
    %jit3A = arith.constant -1.000000e+30 : f32
    %broadcast_in_dim3A = vector.broadcast %jit3A : f32 to vector<2048x128xf32>
    %select_n3A = arith.select %lt3A_7, %dot_general3A_5, %broadcast_in_dim3A : vector<2048x128xi1>, vector<2048x128xf32>
    %reduce_max3A = arith.constant dense<0xFF800000> : vector<2048xf32>
    %reduce_max3A_8 = vector.multi_reduction <maximumf>, %select_n3A, %reduce_max3A [1] : vector<2048x128xf32> to vector<2048xf32>
    %broadcast_in_dim3A_9 = vector.shape_cast %reduce_max3A_8 : vector<2048xf32> to vector<2048x1xf32>
    %sub3A = vector.broadcast %broadcast_in_dim3A_9 : vector<2048x1xf32> to vector<2048x128xf32>
    %sub3A_10 = arith.subf %select_n3A, %sub3A : vector<2048x128xf32>
    %exp3A = math.exp %sub3A_10 : vector<2048x128xf32>
    %reduce_sum3A = arith.constant dense<0.000000e+00> : vector<2048xf32>
    %reduce_sum3A_11 = vector.multi_reduction <add>, %exp3A, %reduce_sum3A [1] : vector<2048x128xf32> to vector<2048xf32>
    %broadcast_in_dim3A_12 = vector.shape_cast %reduce_sum3A_11 : vector<2048xf32> to vector<2048x1xf32>
    %div3A = arith.constant 1.000000e+00 : f32
    %div3A_13 = vector.broadcast %div3A : f32 to vector<2048x1xf32>
    %div3A_14 = arith.divf %div3A_13, %broadcast_in_dim3A_12 : vector<2048x1xf32>
    %ge3A = vector.broadcast %broadcast_in_dim3A_9 : vector<2048x1xf32> to vector<2048x128xf32>
    %ge3A_15 = arith.cmpf oge, %select_n3A, %ge3A : vector<2048x128xf32>
    %jit3A_16 = arith.constant 128 : i32
    %broadcast_in_dim3A_17 = vector.broadcast %jit3A_16 : i32 to vector<2048x128xi32>
    %select_n3A_18 = arith.select %ge3A_15, %iota3A, %broadcast_in_dim3A_17 : vector<2048x128xi1>, vector<2048x128xi32>
    %reduce_min3A = arith.constant dense<2147483647> : vector<2048xi32>
    %reduce_min3A_19 = vector.multi_reduction <minsi>, %select_n3A_18, %reduce_min3A [1] : vector<2048x128xi32> to vector<2048xi32>
    %broadcast_in_dim3A_20 = vector.shape_cast %reduce_min3A_19 : vector<2048xi32> to vector<2048x1xi32>
    %eq3A = vector.broadcast %broadcast_in_dim3A_20 : vector<2048x1xi32> to vector<2048x128xi32>
    %eq3A_21 = arith.cmpi eq, %iota3A, %eq3A : vector<2048x128xi32>
    %convert_element_type3A = arith.extui %eq3A_21 : vector<2048x128xi1> to vector<2048x128xi32>
    %convert_element_type3A_22 = arith.sitofp %convert_element_type3A : vector<2048x128xi32> to vector<2048x128xf32>
    %mul3A = vector.broadcast %div3A_14 : vector<2048x1xf32> to vector<2048x768xf32>
    %mul3A_23 = arith.mulf %get3A_1, %mul3A : vector<2048x768xf32>
    %swap3A = arith.constant 0 : index
    %swap3A_24 = arith.constant 0 : index
    %swap3A_25 = vector.load %arg3[%swap3A, %swap3A_24] : memref<2048x768xf32, #tpu.memory_space<vmem>>, vector<2048x768xf32>
    tpu.vector_store %arg3[%swap3A, %swap3A_24], %mul3A_23 {strides = array<i32>} : memref<2048x768xf32, #tpu.memory_space<vmem>>, vector<2048x768xf32>,
    %get3A_26 = arith.constant 0 : index
    %get3A_27 = arith.constant 0 : index
    %get3A_28 = vector.load %arg2[%get3A_26, %get3A_27] : memref<768x768xf32, #tpu.memory_space<vmem>>, vector<768x768xf32>
    %mul3A_29 = arith.constant 2.000000e+00 : f32
    %mul3A_30 = vector.broadcast %mul3A_29 : f32 to vector<768x768xf32>
    %mul3A_31 = arith.mulf %get3A_28, %mul3A_30 : vector<768x768xf32>
    %round3A = math.roundeven %mul3A_31 : vector<768x768xf32>
    %jit3A_32 = arith.constant -1.000000e+00 : f32
    %jit3A_33 = arith.constant 1.000000e+00 : f32
    %max3A = vector.broadcast %jit3A_32 : f32 to vector<768x768xf32>
    %max3A_34 = arith.maximumf %max3A, %round3A : vector<768x768xf32>
    %min3A = vector.broadcast %jit3A_33 : f32 to vector<768x768xf32>
    %min3A_35 = arith.minimumf %min3A, %max3A_34 : vector<768x768xf32>
    %swap3A_36 = arith.constant 0 : index
    %swap3A_37 = arith.constant 0 : index
    %swap3A_38 = vector.load %arg4[%swap3A_36, %swap3A_37] : memref<768x768xf32, #tpu.memory_space<vmem>>, vector<768x768xf32>
    tpu.vector_store %arg4[%swap3A_36, %swap3A_37], %min3A_35 {strides = array<i32>} : memref<768x768xf32, #tpu.memory_space<vmem>>, vector<768x768xf32>,
    %iota3A_39 = tpu.iota {dimensions = array<i32: 0>} : vector<128x128xi32>
    %iota3A_40 = tpu.iota {dimensions = array<i32: 1>} : vector<128x128xi32>
    %gt3A = arith.cmpi sgt, %iota3A_39, %iota3A_40 : vector<128x128xi32>
    %convert_element_type3A_41 = arith.extui %gt3A : vector<128x128xi1> to vector<128x128xi32>
    %convert_element_type3A_42 = arith.sitofp %convert_element_type3A_41 : vector<128x128xi32> to vector<128x128xf32>
    %broadcast_in_dim3A_43 = arith.constant 0.000000e+00 : f32
    %broadcast_in_dim3A_44 = vector.broadcast %broadcast_in_dim3A_43 : f32 to vector<1x128xf32>
    %slice3A = vector.extract_strided_slice %convert_element_type3A_22 {offsets = [0, 0], sizes = [128, 128], strides = [1, 1]} : vector<2048x128xf32> to vector<128x128xf32>
    %dot_general3A_45 = arith.constant dense<0.000000e+00> : vector<128x128xf32>
    %dot_general3A_46 = tpu.matmul %convert_element_type3A_42, %slice3A, %dot_general3A_45 {dimension_numbers = #tpu.dot_dimension_numbers<[1], [0], [0], [1], [0, 0, 1, 1], [], []>, transpose_lhs_hint = false} : vector<128x128xf32>, vector<128x128xf32>, vector<128x128xf32> -> vector<128x128xf32>
    %add3A = vector.broadcast %broadcast_in_dim3A_44 : vector<1x128xf32> to vector<128x128xf32>
    %add3A_47 = arith.addf %dot_general3A_46, %add3A : vector<128x128xf32>
    %mul3A_48 = arith.mulf %add3A_47, %slice3A : vector<128x128xf32>
    %reduce_sum3A_49 = arith.constant dense<0.000000e+00> : vector<128xf32>
    %reduce_sum3A_50 = vector.multi_reduction <add>, %mul3A_48, %reduce_sum3A_49 [1] : vector<128x128xf32> to vector<128xf32>
    %broadcast_in_dim3A_51 = vector.shape_cast %reduce_sum3A_50 : vector<128xf32> to vector<128x1xf32>
    %swap3A_52 = arith.constant 0 : index
    %swap3A_53 = arith.constant 0 : index
    %swap3A_54 = vector.load %arg8[%swap3A_52, %swap3A_53] : memref<2048x1xf32, #tpu.memory_space<vmem>>, vector<128x1xf32>
    tpu.vector_store %arg8[%swap3A_52, %swap3A_53], %broadcast_in_dim3A_51 {strides = array<i32>} : memref<2048x1xf32, #tpu.memory_space<vmem>>, vector<128x1xf32>,
    %reduce_sum3A_55 = arith.constant dense<0.000000e+00> : vector<128xf32>
    %reduce_sum3A_56 = vector.multi_reduction <add>, %slice3A, %reduce_sum3A_55 [0] : vector<128x128xf32> to vector<128xf32>
    %broadcast_in_dim3A_57 = vector.shape_cast %reduce_sum3A_56 : vector<128xf32> to vector<1x128xf32>
    %add3A_58 = arith.addf %broadcast_in_dim3A_44, %broadcast_in_dim3A_57 : vector<1x128xf32>
    %slice3A_59 = vector.extract_strided_slice %convert_element_type3A_22 {offsets = [128, 0], sizes = [128, 128], strides = [1, 1]} : vector<2048x128xf32> to vector<128x128xf32>
    %dot_general3A_60 = arith.constant dense<0.000000e+00> : vector<128x128xf32>
    %dot_general3A_61 = tpu.matmul %convert_element_type3A_42, %slice3A_59, %dot_general3A_60 {dimension_numbers = #tpu.dot_dimension_numbers<[1], [0], [0], [1], [0, 0, 1, 1], [], []>, transpose_lhs_hint = false} : vector<128x128xf32>, vector<128x128xf32>, vector<128x128xf32> -> vector<128x128xf32>
    %add3A_62 = vector.broadcast %add3A_58 : vector<1x128xf32> to vector<128x128xf32>
    %add3A_63 = arith.addf %dot_general3A_61, %add3A_62 : vector<128x128xf32>
    %mul3A_64 = arith.mulf %add3A_63, %slice3A_59 : vector<128x128xf32>
    %reduce_sum3A_65 = arith.constant dense<0.000000e+00> : vector<128xf32>
    %reduce_sum3A_66 = vector.multi_reduction <add>, %mul3A_64, %reduce_sum3A_65 [1] : vector<128x128xf32> to vector<128xf32>
    %broadcast_in_dim3A_67 = vector.shape_cast %reduce_sum3A_66 : vector<128xf32> to vector<128x1xf32>
    %swap3A_68 = arith.constant 128 : index
    %swap3A_69 = arith.constant 0 : index
    %swap3A_70 = vector.load %arg8[%swap3A_68, %swap3A_69] : memref<2048x1xf32, #tpu.memory_space<vmem>>, vector<128x1xf32>
    tpu.vector_store %arg8[%swap3A_68, %swap3A_69], %broadcast_in_dim3A_67 {strides = array<i32>} : memref<2048x1xf32, #tpu.memory_space<vmem>>, vector<128x1xf32>,
    %reduce_sum3A_71 = arith.constant dense<0.000000e+00> : vector<128xf32>
    %reduce_sum3A_72 = vector.multi_reduction <add>, %slice3A_59, %reduce_sum3A_71 [0] : vector<128x128xf32> to vector<128xf32>
    %broadcast_in_dim3A_73 = vector.shape_cast %reduce_sum3A_72 : vector<128xf32> to vector<1x128xf32>
    %add3A_74 = arith.addf %add3A_58, %broadcast_in_dim3A_73 : vector<1x128xf32>
    %slice3A_75 = vector.extract_strided_slice %convert_element_type3A_22 {offsets = [256, 0], sizes = [128, 128], strides = [1, 1]} : vector<2048x128xf32> to vector<128x128xf32>
    %dot_general3A_76 = arith.constant dense<0.000000e+00> : vector<128x128xf32>
    %dot_general3A_77 = tpu.matmul %convert_element_type3A_42, %slice3A_75, %dot_general3A_76 {dimension_numbers = #tpu.dot_dimension_numbers<[1], [0], [0], [1], [0, 0, 1, 1], [], []>, transpose_lhs_hint = false} : vector<128x128xf32>, vector<128x128xf32>, vector<128x128xf32> -> vector<128x128xf32>
    %add3A_78 = vector.broadcast %add3A_74 : vector<1x128xf32> to vector<128x128xf32>
    %add3A_79 = arith.addf %dot_general3A_77, %add3A_78 : vector<128x128xf32>
    %mul3A_80 = arith.mulf %add3A_79, %slice3A_75 : vector<128x128xf32>
    %reduce_sum3A_81 = arith.constant dense<0.000000e+00> : vector<128xf32>
    %reduce_sum3A_82 = vector.multi_reduction <add>, %mul3A_80, %reduce_sum3A_81 [1] : vector<128x128xf32> to vector<128xf32>
    %broadcast_in_dim3A_83 = vector.shape_cast %reduce_sum3A_82 : vector<128xf32> to vector<128x1xf32>
    %swap3A_84 = arith.constant 256 : index
    %swap3A_85 = arith.constant 0 : index
    %swap3A_86 = vector.load %arg8[%swap3A_84, %swap3A_85] : memref<2048x1xf32, #tpu.memory_space<vmem>>, vector<128x1xf32>
    tpu.vector_store %arg8[%swap3A_84, %swap3A_85], %broadcast_in_dim3A_83 {strides = array<i32>} : memref<2048x1xf32, #tpu.memory_space<vmem>>, vector<128x1xf32>,
    %reduce_sum3A_87 = arith.constant dense<0.000000e+00> : vector<128xf32>
    %reduce_sum3A_88 = vector.multi_reduction <add>, %slice3A_75, %reduce_sum3A_87 [0] : vector<128x128xf32> to vector<128xf32>
    %broadcast_in_dim3A_89 = vector.shape_cast %reduce_sum3A_88 : vector<128xf32> to vector<1x128xf32>
    %add3A_90 = arith.addf %add3A_74, %broadcast_in_dim3A_89 : vector<1x128xf32>
    %slice3A_91 = vector.extract_strided_slice %convert_element_type3A_22 {offsets = [384, 0], sizes = [128, 128], strides = [1, 1]} : vector<2048x128xf32> to vector<128x128xf32>
    %dot_general3A_92 = arith.constant dense<0.000000e+00> : vector<128x128xf32>
    %dot_general3A_93 = tpu.matmul %convert_element_type3A_42, %slice3A_91, %dot_general3A_92 {dimension_numbers = #tpu.dot_dimension_numbers<[1], [0], [0], [1], [0, 0, 1, 1], [], []>, transpose_lhs_hint = false} : vector<128x128xf32>, vector<128x128xf32>, vector<128x128xf32> -> vector<128x128xf32>
    %add3A_94 = vector.broadcast %add3A_90 : vector<1x128xf32> to vector<128x128xf32>
    %add3A_95 = arith.addf %dot_general3A_93, %add3A_94 : vector<128x128xf32>
    %mul3A_96 = arith.mulf %add3A_95, %slice3A_91 : vector<128x128xf32>
    %reduce_sum3A_97 = arith.constant dense<0.000000e+00> : vector<128xf32>
    %reduce_sum3A_98 = vector.multi_reduction <add>, %mul3A_96, %reduce_sum3A_97 [1] : vector<128x128xf32> to vector<128xf32>
    %broadcast_in_dim3A_99 = vector.shape_cast %reduce_sum3A_98 : vector<128xf32> to vector<128x1xf32>
    %swap3A_100 = arith.constant 384 : index
    %swap3A_101 = arith.constant 0 : index
    %swap3A_102 = vector.load %arg8[%swap3A_100, %swap3A_101] : memref<2048x1xf32, #tpu.memory_space<vmem>>, vector<128x1xf32>
    tpu.vector_store %arg8[%swap3A_100, %swap3A_101], %broadcast_in_dim3A_99 {strides = array<i32>} : memref<2048x1xf32, #tpu.memory_space<vmem>>, vector<128x1xf32>,
    %reduce_sum3A_103 = arith.constant dense<0.000000e+00> : vector<128xf32>
    %reduce_sum3A_104 = vector.multi_reduction <add>, %slice3A_91, %reduce_sum3A_103 [0] : vector<128x128xf32> to vector<128xf32>
    %broadcast_in_dim3A_105 = vector.shape_cast %reduce_sum3A_104 : vector<128xf32> to vector<1x128xf32>
    %add3A_106 = arith.addf %add3A_90, %broadcast_in_dim3A_105 : vector<1x128xf32>
    %slice3A_107 = vector.extract_strided_slice %convert_element_type3A_22 {offsets = [512, 0], sizes = [128, 128], strides = [1, 1]} : vector<2048x128xf32> to vector<128x128xf32>
    %dot_general3A_108 = arith.constant dense<0.000000e+00> : vector<128x128xf32>
    %dot_general3A_109 = tpu.matmul %convert_element_type3A_42, %slice3A_107, %dot_general3A_108 {dimension_numbers = #tpu.dot_dimension_numbers<[1], [0], [0], [1], [0, 0, 1, 1], [], []>, transpose_lhs_hint = false} : vector<128x128xf32>, vector<128x128xf32>, vector<128x128xf32> -> vector<128x128xf32>
    %add3A_110 = vector.broadcast %add3A_106 : vector<1x128xf32> to vector<128x128xf32>
    %add3A_111 = arith.addf %dot_general3A_109, %add3A_110 : vector<128x128xf32>
    %mul3A_112 = arith.mulf %add3A_111, %slice3A_107 : vector<128x128xf32>
    %reduce_sum3A_113 = arith.constant dense<0.000000e+00> : vector<128xf32>
    %reduce_sum3A_114 = vector.multi_reduction <add>, %mul3A_112, %reduce_sum3A_113 [1] : vector<128x128xf32> to vector<128xf32>
    %broadcast_in_dim3A_115 = vector.shape_cast %reduce_sum3A_114 : vector<128xf32> to vector<128x1xf32>
    %swap3A_116 = arith.constant 512 : index
    %swap3A_117 = arith.constant 0 : index
    %swap3A_118 = vector.load %arg8[%swap3A_116, %swap3A_117] : memref<2048x1xf32, #tpu.memory_space<vmem>>, vector<128x1xf32>
    tpu.vector_store %arg8[%swap3A_116, %swap3A_117], %broadcast_in_dim3A_115 {strides = array<i32>} : memref<2048x1xf32, #tpu.memory_space<vmem>>, vector<128x1xf32>,
    %reduce_sum3A_119 = arith.constant dense<0.000000e+00> : vector<128xf32>
    %reduce_sum3A_120 = vector.multi_reduction <add>, %slice3A_107, %reduce_sum3A_119 [0] : vector<128x128xf32> to vector<128xf32>
    %broadcast_in_dim3A_121 = vector.shape_cast %reduce_sum3A_120 : vector<128xf32> to vector<1x128xf32>
    %add3A_122 = arith.addf %add3A_106, %broadcast_in_dim3A_121 : vector<1x128xf32>
    %slice3A_123 = vector.extract_strided_slice %convert_element_type3A_22 {offsets = [640, 0], sizes = [128, 128], strides = [1, 1]} : vector<2048x128xf32> to vector<128x128xf32>
    %dot_general3A_124 = arith.constant dense<0.000000e+00> : vector<128x128xf32>
    %dot_general3A_125 = tpu.matmul %convert_element_type3A_42, %slice3A_123, %dot_general3A_124 {dimension_numbers = #tpu.dot_dimension_numbers<[1], [0], [0], [1], [0, 0, 1, 1], [], []>, transpose_lhs_hint = false} : vector<128x128xf32>, vector<128x128xf32>, vector<128x128xf32> -> vector<128x128xf32>
    %add3A_126 = vector.broadcast %add3A_122 : vector<1x128xf32> to vector<128x128xf32>
    %add3A_127 = arith.addf %dot_general3A_125, %add3A_126 : vector<128x128xf32>
    %mul3A_128 = arith.mulf %add3A_127, %slice3A_123 : vector<128x128xf32>
    %reduce_sum3A_129 = arith.constant dense<0.000000e+00> : vector<128xf32>
    %reduce_sum3A_130 = vector.multi_reduction <add>, %mul3A_128, %reduce_sum3A_129 [1] : vector<128x128xf32> to vector<128xf32>
    %broadcast_in_dim3A_131 = vector.shape_cast %reduce_sum3A_130 : vector<128xf32> to vector<128x1xf32>
    %swap3A_132 = arith.constant 640 : index
    %swap3A_133 = arith.constant 0 : index
    %swap3A_134 = vector.load %arg8[%swap3A_132, %swap3A_133] : memref<2048x1xf32, #tpu.memory_space<vmem>>, vector<128x1xf32>
    tpu.vector_store %arg8[%swap3A_132, %swap3A_133], %broadcast_in_dim3A_131 {strides = array<i32>} : memref<2048x1xf32, #tpu.memory_space<vmem>>, vector<128x1xf32>,
    %reduce_sum3A_135 = arith.constant dense<0.000000e+00> : vector<128xf32>
    %reduce_sum3A_136 = vector.multi_reduction <add>, %slice3A_123, %reduce_sum3A_135 [0] : vector<128x128xf32> to vector<128xf32>
    %broadcast_in_dim3A_137 = vector.shape_cast %reduce_sum3A_136 : vector<128xf32> to vector<1x128xf32>
    %add3A_138 = arith.addf %add3A_122, %broadcast_in_dim3A_137 : vector<1x128xf32>
    %slice3A_139 = vector.extract_strided_slice %convert_element_type3A_22 {offsets = [768, 0], sizes = [128, 128], strides = [1, 1]} : vector<2048x128xf32> to vector<128x128xf32>
    %dot_general3A_140 = arith.constant dense<0.000000e+00> : vector<128x128xf32>
    %dot_general3A_141 = tpu.matmul %convert_element_type3A_42, %slice3A_139, %dot_general3A_140 {dimension_numbers = #tpu.dot_dimension_numbers<[1], [0], [0], [1], [0, 0, 1, 1], [], []>, transpose_lhs_hint = false} : vector<128x128xf32>, vector<128x128xf32>, vector<128x128xf32> -> vector<128x128xf32>
    %add3A_142 = vector.broadcast %add3A_138 : vector<1x128xf32> to vector<128x128xf32>
    %add3A_143 = arith.addf %dot_general3A_141, %add3A_142 : vector<128x128xf32>
    %mul3A_144 = arith.mulf %add3A_143, %slice3A_139 : vector<128x128xf32>
    %reduce_sum3A_145 = arith.constant dense<0.000000e+00> : vector<128xf32>
    %reduce_sum3A_146 = vector.multi_reduction <add>, %mul3A_144, %reduce_sum3A_145 [1] : vector<128x128xf32> to vector<128xf32>
    %broadcast_in_dim3A_147 = vector.shape_cast %reduce_sum3A_146 : vector<128xf32> to vector<128x1xf32>
    %swap3A_148 = arith.constant 768 : index
    %swap3A_149 = arith.constant 0 : index
    %swap3A_150 = vector.load %arg8[%swap3A_148, %swap3A_149] : memref<2048x1xf32, #tpu.memory_space<vmem>>, vector<128x1xf32>
    tpu.vector_store %arg8[%swap3A_148, %swap3A_149], %broadcast_in_dim3A_147 {strides = array<i32>} : memref<2048x1xf32, #tpu.memory_space<vmem>>, vector<128x1xf32>,
    %reduce_sum3A_151 = arith.constant dense<0.000000e+00> : vector<128xf32>
    %reduce_sum3A_152 = vector.multi_reduction <add>, %slice3A_139, %reduce_sum3A_151 [0] : vector<128x128xf32> to vector<128xf32>
    %broadcast_in_dim3A_153 = vector.shape_cast %reduce_sum3A_152 : vector<128xf32> to vector<1x128xf32>
    %add3A_154 = arith.addf %add3A_138, %broadcast_in_dim3A_153 : vector<1x128xf32>
    %slice3A_155 = vector.extract_strided_slice %convert_element_type3A_22 {offsets = [896, 0], sizes = [128, 128], strides = [1, 1]} : vector<2048x128xf32> to vector<128x128xf32>
    %dot_general3A_156 = arith.constant dense<0.000000e+00> : vector<128x128xf32>
    %dot_general3A_157 = tpu.matmul %convert_element_type3A_42, %slice3A_155, %dot_general3A_156 {dimension_numbers = #tpu.dot_dimension_numbers<[1], [0], [0], [1], [0, 0, 1, 1], [], []>, transpose_lhs_hint = false} : vector<128x128xf32>, vector<128x128xf32>, vector<128x128xf32> -> vector<128x128xf32>
    %add3A_158 = vector.broadcast %add3A_154 : vector<1x128xf32> to vector<128x128xf32>
    %add3A_159 = arith.addf %dot_general3A_157, %add3A_158 : vector<128x128xf32>
    %mul3A_160 = arith.mulf %add3A_159, %slice3A_155 : vector<128x128xf32>
    %reduce_sum3A_161 = arith.constant dense<0.000000e+00> : vector<128xf32>
    %reduce_sum3A_162 = vector.multi_reduction <add>, %mul3A_160, %reduce_sum3A_161 [1] : vector<128x128xf32> to vector<128xf32>
    %broadcast_in_dim3A_163 = vector.shape_cast %reduce_sum3A_162 : vector<128xf32> to vector<128x1xf32>
    %swap3A_164 = arith.constant 896 : index
    %swap3A_165 = arith.constant 0 : index
    %swap3A_166 = vector.load %arg8[%swap3A_164, %swap3A_165] : memref<2048x1xf32, #tpu.memory_space<vmem>>, vector<128x1xf32>
    tpu.vector_store %arg8[%swap3A_164, %swap3A_165], %broadcast_in_dim3A_163 {strides = array<i32>} : memref<2048x1xf32, #tpu.memory_space<vmem>>, vector<128x1xf32>,
    %reduce_sum3A_167 = arith.constant dense<0.000000e+00> : vector<128xf32>
    %reduce_sum3A_168 = vector.multi_reduction <add>, %slice3A_155, %reduce_sum3A_167 [0] : vector<128x128xf32> to vector<128xf32>
    %broadcast_in_dim3A_169 = vector.shape_cast %reduce_sum3A_168 : vector<128xf32> to vector<1x128xf32>
    %add3A_170 = arith.addf %add3A_154, %broadcast_in_dim3A_169 : vector<1x128xf32>
    %slice3A_171 = vector.extract_strided_slice %convert_element_type3A_22 {offsets = [1024, 0], sizes = [128, 128], strides = [1, 1]} : vector<2048x128xf32> to vector<128x128xf32>
    %dot_general3A_172 = arith.constant dense<0.000000e+00> : vector<128x128xf32>
    %dot_general3A_173 = tpu.matmul %convert_element_type3A_42, %slice3A_171, %dot_general3A_172 {dimension_numbers = #tpu.dot_dimension_numbers<[1], [0], [0], [1], [0, 0, 1, 1], [], []>, transpose_lhs_hint = false} : vector<128x128xf32>, vector<128x128xf32>, vector<128x128xf32> -> vector<128x128xf32>
    %add3A_174 = vector.broadcast %add3A_170 : vector<1x128xf32> to vector<128x128xf32>
    %add3A_175 = arith.addf %dot_general3A_173, %add3A_174 : vector<128x128xf32>
    %mul3A_176 = arith.mulf %add3A_175, %slice3A_171 : vector<128x128xf32>
    %reduce_sum3A_177 = arith.constant dense<0.000000e+00> : vector<128xf32>
    %reduce_sum3A_178 = vector.multi_reduction <add>, %mul3A_176, %reduce_sum3A_177 [1] : vector<128x128xf32> to vector<128xf32>
    %broadcast_in_dim3A_179 = vector.shape_cast %reduce_sum3A_178 : vector<128xf32> to vector<128x1xf32>
    %swap3A_180 = arith.constant 1024 : index
    %swap3A_181 = arith.constant 0 : index
    %swap3A_182 = vector.load %arg8[%swap3A_180, %swap3A_181] : memref<2048x1xf32, #tpu.memory_space<vmem>>, vector<128x1xf32>
    tpu.vector_store %arg8[%swap3A_180, %swap3A_181], %broadcast_in_dim3A_179 {strides = array<i32>} : memref<2048x1xf32, #tpu.memory_space<vmem>>, vector<128x1xf32>,
    %reduce_sum3A_183 = arith.constant dense<0.000000e+00> : vector<128xf32>
    %reduce_sum3A_184 = vector.multi_reduction <add>, %slice3A_171, %reduce_sum3A_183 [0] : vector<128x128xf32> to vector<128xf32>
    %broadcast_in_dim3A_185 = vector.shape_cast %reduce_sum3A_184 : vector<128xf32> to vector<1x128xf32>
    %add3A_186 = arith.addf %add3A_170, %broadcast_in_dim3A_185 : vector<1x128xf32>
    %slice3A_187 = vector.extract_strided_slice %convert_element_type3A_22 {offsets = [1152, 0], sizes = [128, 128], strides = [1, 1]} : vector<2048x128xf32> to vector<128x128xf32>
    %dot_general3A_188 = arith.constant dense<0.000000e+00> : vector<128x128xf32>
    %dot_general3A_189 = tpu.matmul %convert_element_type3A_42, %slice3A_187, %dot_general3A_188 {dimension_numbers = #tpu.dot_dimension_numbers<[1], [0], [0], [1], [0, 0, 1, 1], [], []>, transpose_lhs_hint = false} : vector<128x128xf32>, vector<128x128xf32>, vector<128x128xf32> -> vector<128x128xf32>
    %add3A_190 = vector.broadcast %add3A_186 : vector<1x128xf32> to vector<128x128xf32>
    %add3A_191 = arith.addf %dot_general3A_189, %add3A_190 : vector<128x128xf32>
    %mul3A_192 = arith.mulf %add3A_191, %slice3A_187 : vector<128x128xf32>
    %reduce_sum3A_193 = arith.constant dense<0.000000e+00> : vector<128xf32>
    %reduce_sum3A_194 = vector.multi_reduction <add>, %mul3A_192, %reduce_sum3A_193 [1] : vector<128x128xf32> to vector<128xf32>
    %broadcast_in_dim3A_195 = vector.shape_cast %reduce_sum3A_194 : vector<128xf32> to vector<128x1xf32>
    %swap3A_196 = arith.constant 1152 : index
    %swap3A_197 = arith.constant 0 : index
    %swap3A_198 = vector.load %arg8[%swap3A_196, %swap3A_197] : memref<2048x1xf32, #tpu.memory_space<vmem>>, vector<128x1xf32>
    tpu.vector_store %arg8[%swap3A_196, %swap3A_197], %broadcast_in_dim3A_195 {strides = array<i32>} : memref<2048x1xf32, #tpu.memory_space<vmem>>, vector<128x1xf32>,
    %reduce_sum3A_199 = arith.constant dense<0.000000e+00> : vector<128xf32>
    %reduce_sum3A_200 = vector.multi_reduction <add>, %slice3A_187, %reduce_sum3A_199 [0] : vector<128x128xf32> to vector<128xf32>
    %broadcast_in_dim3A_201 = vector.shape_cast %reduce_sum3A_200 : vector<128xf32> to vector<1x128xf32>
    %add3A_202 = arith.addf %add3A_186, %broadcast_in_dim3A_201 : vector<1x128xf32>
    %slice3A_203 = vector.extract_strided_slice %convert_element_type3A_22 {offsets = [1280, 0], sizes = [128, 128], strides = [1, 1]} : vector<2048x128xf32> to vector<128x128xf32>
    %dot_general3A_204 = arith.constant dense<0.000000e+00> : vector<128x128xf32>
    %dot_general3A_205 = tpu.matmul %convert_element_type3A_42, %slice3A_203, %dot_general3A_204 {dimension_numbers = #tpu.dot_dimension_numbers<[1], [0], [0], [1], [0, 0, 1, 1], [], []>, transpose_lhs_hint = false} : vector<128x128xf32>, vector<128x128xf32>, vector<128x128xf32> -> vector<128x128xf32>
    %add3A_206 = vector.broadcast %add3A_202 : vector<1x128xf32> to vector<128x128xf32>
    %add3A_207 = arith.addf %dot_general3A_205, %add3A_206 : vector<128x128xf32>
    %mul3A_208 = arith.mulf %add3A_207, %slice3A_203 : vector<128x128xf32>
    %reduce_sum3A_209 = arith.constant dense<0.000000e+00> : vector<128xf32>
    %reduce_sum3A_210 = vector.multi_reduction <add>, %mul3A_208, %reduce_sum3A_209 [1] : vector<128x128xf32> to vector<128xf32>
    %broadcast_in_dim3A_211 = vector.shape_cast %reduce_sum3A_210 : vector<128xf32> to vector<128x1xf32>
    %swap3A_212 = arith.constant 1280 : index
    %swap3A_213 = arith.constant 0 : index
    %swap3A_214 = vector.load %arg8[%swap3A_212, %swap3A_213] : memref<2048x1xf32, #tpu.memory_space<vmem>>, vector<128x1xf32>
    tpu.vector_store %arg8[%swap3A_212, %swap3A_213], %broadcast_in_dim3A_211 {strides = array<i32>} : memref<2048x1xf32, #tpu.memory_space<vmem>>, vector<128x1xf32>,
    %reduce_sum3A_215 = arith.constant dense<0.000000e+00> : vector<128xf32>
    %reduce_sum3A_216 = vector.multi_reduction <add>, %slice3A_203, %reduce_sum3A_215 [0] : vector<128x128xf32> to vector<128xf32>
    %broadcast_in_dim3A_217 = vector.shape_cast %reduce_sum3A_216 : vector<128xf32> to vector<1x128xf32>
    %add3A_218 = arith.addf %add3A_202, %broadcast_in_dim3A_217 : vector<1x128xf32>
    %slice3A_219 = vector.extract_strided_slice %convert_element_type3A_22 {offsets = [1408, 0], sizes = [128, 128], strides = [1, 1]} : vector<2048x128xf32> to vector<128x128xf32>
    %dot_general3A_220 = arith.constant dense<0.000000e+00> : vector<128x128xf32>
    %dot_general3A_221 = tpu.matmul %convert_element_type3A_42, %slice3A_219, %dot_general3A_220 {dimension_numbers = #tpu.dot_dimension_numbers<[1], [0], [0], [1], [0, 0, 1, 1], [], []>, transpose_lhs_hint = false} : vector<128x128xf32>, vector<128x128xf32>, vector<128x128xf32> -> vector<128x128xf32>
    %add3A_222 = vector.broadcast %add3A_218 : vector<1x128xf32> to vector<128x128xf32>
    %add3A_223 = arith.addf %dot_general3A_221, %add3A_222 : vector<128x128xf32>
    %mul3A_224 = arith.mulf %add3A_223, %slice3A_219 : vector<128x128xf32>
    %reduce_sum3A_225 = arith.constant dense<0.000000e+00> : vector<128xf32>
    %reduce_sum3A_226 = vector.multi_reduction <add>, %mul3A_224, %reduce_sum3A_225 [1] : vector<128x128xf32> to vector<128xf32>
    %broadcast_in_dim3A_227 = vector.shape_cast %reduce_sum3A_226 : vector<128xf32> to vector<128x1xf32>
    %swap3A_228 = arith.constant 1408 : index
    %swap3A_229 = arith.constant 0 : index
    %swap3A_230 = vector.load %arg8[%swap3A_228, %swap3A_229] : memref<2048x1xf32, #tpu.memory_space<vmem>>, vector<128x1xf32>
    tpu.vector_store %arg8[%swap3A_228, %swap3A_229], %broadcast_in_dim3A_227 {strides = array<i32>} : memref<2048x1xf32, #tpu.memory_space<vmem>>, vector<128x1xf32>,
    %reduce_sum3A_231 = arith.constant dense<0.000000e+00> : vector<128xf32>
    %reduce_sum3A_232 = vector.multi_reduction <add>, %slice3A_219, %reduce_sum3A_231 [0] : vector<128x128xf32> to vector<128xf32>
    %broadcast_in_dim3A_233 = vector.shape_cast %reduce_sum3A_232 : vector<128xf32> to vector<1x128xf32>
    %add3A_234 = arith.addf %add3A_218, %broadcast_in_dim3A_233 : vector<1x128xf32>
    %slice3A_235 = vector.extract_strided_slice %convert_element_type3A_22 {offsets = [1536, 0], sizes = [128, 128], strides = [1, 1]} : vector<2048x128xf32> to vector<128x128xf32>
    %dot_general3A_236 = arith.constant dense<0.000000e+00> : vector<128x128xf32>
    %dot_general3A_237 = tpu.matmul %convert_element_type3A_42, %slice3A_235, %dot_general3A_236 {dimension_numbers = #tpu.dot_dimension_numbers<[1], [0], [0], [1], [0, 0, 1, 1], [], []>, transpose_lhs_hint = false} : vector<128x128xf32>, vector<128x128xf32>, vector<128x128xf32> -> vector<128x128xf32>
    %add3A_238 = vector.broadcast %add3A_234 : vector<1x128xf32> to vector<128x128xf32>
    %add3A_239 = arith.addf %dot_general3A_237, %add3A_238 : vector<128x128xf32>
    %mul3A_240 = arith.mulf %add3A_239, %slice3A_235 : vector<128x128xf32>
    %reduce_sum3A_241 = arith.constant dense<0.000000e+00> : vector<128xf32>
    %reduce_sum3A_242 = vector.multi_reduction <add>, %mul3A_240, %reduce_sum3A_241 [1] : vector<128x128xf32> to vector<128xf32>
    %broadcast_in_dim3A_243 = vector.shape_cast %reduce_sum3A_242 : vector<128xf32> to vector<128x1xf32>
    %swap3A_244 = arith.constant 1536 : index
    %swap3A_245 = arith.constant 0 : index
    %swap3A_246 = vector.load %arg8[%swap3A_244, %swap3A_245] : memref<2048x1xf32, #tpu.memory_space<vmem>>, vector<128x1xf32>
    tpu.vector_store %arg8[%swap3A_244, %swap3A_245], %broadcast_in_dim3A_243 {strides = array<i32>} : memref<2048x1xf32, #tpu.memory_space<vmem>>, vector<128x1xf32>,
    %reduce_sum3A_247 = arith.constant dense<0.000000e+00> : vector<128xf32>
    %reduce_sum3A_248 = vector.multi_reduction <add>, %slice3A_235, %reduce_sum3A_247 [0] : vector<128x128xf32> to vector<128xf32>
    %broadcast_in_dim3A_249 = vector.shape_cast %reduce_sum3A_248 : vector<128xf32> to vector<1x128xf32>
    %add3A_250 = arith.addf %add3A_234, %broadcast_in_dim3A_249 : vector<1x128xf32>
    %slice3A_251 = vector.extract_strided_slice %convert_element_type3A_22 {offsets = [1664, 0], sizes = [128, 128], strides = [1, 1]} : vector<2048x128xf32> to vector<128x128xf32>
    %dot_general3A_252 = arith.constant dense<0.000000e+00> : vector<128x128xf32>
    %dot_general3A_253 = tpu.matmul %convert_element_type3A_42, %slice3A_251, %dot_general3A_252 {dimension_numbers = #tpu.dot_dimension_numbers<[1], [0], [0], [1], [0, 0, 1, 1], [], []>, transpose_lhs_hint = false} : vector<128x128xf32>, vector<128x128xf32>, vector<128x128xf32> -> vector<128x128xf32>
    %add3A_254 = vector.broadcast %add3A_250 : vector<1x128xf32> to vector<128x128xf32>
    %add3A_255 = arith.addf %dot_general3A_253, %add3A_254 : vector<128x128xf32>
    %mul3A_256 = arith.mulf %add3A_255, %slice3A_251 : vector<128x128xf32>
    %reduce_sum3A_257 = arith.constant dense<0.000000e+00> : vector<128xf32>
    %reduce_sum3A_258 = vector.multi_reduction <add>, %mul3A_256, %reduce_sum3A_257 [1] : vector<128x128xf32> to vector<128xf32>
    %broadcast_in_dim3A_259 = vector.shape_cast %reduce_sum3A_258 : vector<128xf32> to vector<128x1xf32>
    %swap3A_260 = arith.constant 1664 : index
    %swap3A_261 = arith.constant 0 : index
    %swap3A_262 = vector.load %arg8[%swap3A_260, %swap3A_261] : memref<2048x1xf32, #tpu.memory_space<vmem>>, vector<128x1xf32>
    tpu.vector_store %arg8[%swap3A_260, %swap3A_261], %broadcast_in_dim3A_259 {strides = array<i32>} : memref<2048x1xf32, #tpu.memory_space<vmem>>, vector<128x1xf32>,
    %reduce_sum3A_263 = arith.constant dense<0.000000e+00> : vector<128xf32>
    %reduce_sum3A_264 = vector.multi_reduction <add>, %slice3A_251, %reduce_sum3A_263 [0] : vector<128x128xf32> to vector<128xf32>
    %broadcast_in_dim3A_265 = vector.shape_cast %reduce_sum3A_264 : vector<128xf32> to vector<1x128xf32>
    %add3A_266 = arith.addf %add3A_250, %broadcast_in_dim3A_265 : vector<1x128xf32>
    %slice3A_267 = vector.extract_strided_slice %convert_element_type3A_22 {offsets = [1792, 0], sizes = [128, 128], strides = [1, 1]} : vector<2048x128xf32> to vector<128x128xf32>
    %dot_general3A_268 = arith.constant dense<0.000000e+00> : vector<128x128xf32>
    %dot_general3A_269 = tpu.matmul %convert_element_type3A_42, %slice3A_267, %dot_general3A_268 {dimension_numbers = #tpu.dot_dimension_numbers<[1], [0], [0], [1], [0, 0, 1, 1], [], []>, transpose_lhs_hint = false} : vector<128x128xf32>, vector<128x128xf32>, vector<128x128xf32> -> vector<128x128xf32>
    %add3A_270 = vector.broadcast %add3A_266 : vector<1x128xf32> to vector<128x128xf32>
    %add3A_271 = arith.addf %dot_general3A_269, %add3A_270 : vector<128x128xf32>
    %mul3A_272 = arith.mulf %add3A_271, %slice3A_267 : vector<128x128xf32>
    %reduce_sum3A_273 = arith.constant dense<0.000000e+00> : vector<128xf32>
    %reduce_sum3A_274 = vector.multi_reduction <add>, %mul3A_272, %reduce_sum3A_273 [1] : vector<128x128xf32> to vector<128xf32>
    %broadcast_in_dim3A_275 = vector.shape_cast %reduce_sum3A_274 : vector<128xf32> to vector<128x1xf32>
    %swap3A_276 = arith.constant 1792 : index
    %swap3A_277 = arith.constant 0 : index
    %swap3A_278 = vector.load %arg8[%swap3A_276, %swap3A_277] : memref<2048x1xf32, #tpu.memory_space<vmem>>, vector<128x1xf32>
    tpu.vector_store %arg8[%swap3A_276, %swap3A_277], %broadcast_in_dim3A_275 {strides = array<i32>} : memref<2048x1xf32, #tpu.memory_space<vmem>>, vector<128x1xf32>,
    %reduce_sum3A_279 = arith.constant dense<0.000000e+00> : vector<128xf32>
    %reduce_sum3A_280 = vector.multi_reduction <add>, %slice3A_267, %reduce_sum3A_279 [0] : vector<128x128xf32> to vector<128xf32>
    %broadcast_in_dim3A_281 = vector.shape_cast %reduce_sum3A_280 : vector<128xf32> to vector<1x128xf32>
    %add3A_282 = arith.addf %add3A_266, %broadcast_in_dim3A_281 : vector<1x128xf32>
    %slice3A_283 = vector.extract_strided_slice %convert_element_type3A_22 {offsets = [1920, 0], sizes = [128, 128], strides = [1, 1]} : vector<2048x128xf32> to vector<128x128xf32>
    %dot_general3A_284 = arith.constant dense<0.000000e+00> : vector<128x128xf32>
    %dot_general3A_285 = tpu.matmul %convert_element_type3A_42, %slice3A_283, %dot_general3A_284 {dimension_numbers = #tpu.dot_dimension_numbers<[1], [0], [0], [1], [0, 0, 1, 1], [], []>, transpose_lhs_hint = false} : vector<128x128xf32>, vector<128x128xf32>, vector<128x128xf32> -> vector<128x128xf32>
    %add3A_286 = vector.broadcast %add3A_282 : vector<1x128xf32> to vector<128x128xf32>
    %add3A_287 = arith.addf %dot_general3A_285, %add3A_286 : vector<128x128xf32>
    %mul3A_288 = arith.mulf %add3A_287, %slice3A_283 : vector<128x128xf32>
    %reduce_sum3A_289 = arith.constant dense<0.000000e+00> : vector<128xf32>
    %reduce_sum3A_290 = vector.multi_reduction <add>, %mul3A_288, %reduce_sum3A_289 [1] : vector<128x128xf32> to vector<128xf32>
    %broadcast_in_dim3A_291 = vector.shape_cast %reduce_sum3A_290 : vector<128xf32> to vector<128x1xf32>
    %swap3A_292 = arith.constant 1920 : index
    %swap3A_293 = arith.constant 0 : index
    %swap3A_294 = vector.load %arg8[%swap3A_292, %swap3A_293] : memref<2048x1xf32, #tpu.memory_space<vmem>>, vector<128x1xf32>
    tpu.vector_store %arg8[%swap3A_292, %swap3A_293], %broadcast_in_dim3A_291 {strides = array<i32>} : memref<2048x1xf32, #tpu.memory_space<vmem>>, vector<128x1xf32>,
    %reduce_sum3A_295 = arith.constant dense<0.000000e+00> : vector<128xf32>
    %reduce_sum3A_296 = vector.multi_reduction <add>, %slice3A_283, %reduce_sum3A_295 [0] : vector<128x128xf32> to vector<128xf32>
    %broadcast_in_dim3A_297 = vector.shape_cast %reduce_sum3A_296 : vector<128xf32> to vector<1x128xf32>
    %add3A_298 = arith.addf %add3A_282, %broadcast_in_dim3A_297 : vector<1x128xf32>
    %sub3A_299 = arith.constant 2.560000e+02 : f32
    %sub3A_300 = arith.constant 1.000000e+00 : f32
    %sub3A_301 = arith.subf %sub3A_299, %sub3A_300 : f32
    %add3A_302 = vector.broadcast %sub3A_301 : f32 to vector<1x128xf32>
    %add3A_303 = arith.addf %add3A_298, %add3A_302 : vector<1x128xf32>
    %div3A_304 = arith.constant 2.560000e+02 : f32
    %div3A_305 = vector.broadcast %div3A_304 : f32 to vector<1x128xf32>
    %div3A_306 = arith.divf %add3A_303, %div3A_305 : vector<1x128xf32>
    %floor3A = math.floor %div3A_306 : vector<1x128xf32>
    %mul3A_307 = arith.constant 2.560000e+02 : f32
    %mul3A_308 = vector.broadcast %mul3A_307 : f32 to vector<1x128xf32>
    %mul3A_309 = arith.mulf %floor3A, %mul3A_308 : vector<1x128xf32>
    %iota3A_310 = tpu.iota {dimensions = array<i32: 0>} : vector<128x128xi32>
    %iota3A_311 = tpu.iota {dimensions = array<i32: 1>} : vector<128x128xi32>
    %lt3A_312 = arith.cmpi slt, %iota3A_310, %iota3A_311 : vector<128x128xi32>
    %convert_element_type3A_313 = arith.extui %lt3A_312 : vector<128x128xi1> to vector<128x128xi32>
    %convert_element_type3A_314 = arith.sitofp %convert_element_type3A_313 : vector<128x128xi32> to vector<128x128xf32>
    %dot_general3A_315 = arith.constant dense<0.000000e+00> : vector<1x128xf32>
    %dot_general3A_316 = tpu.matmul %mul3A_309, %convert_element_type3A_314, %dot_general3A_315 {dimension_numbers = #tpu.dot_dimension_numbers<[1], [0], [0], [1], [0, 0, 1, 1], [], []>, transpose_lhs_hint = false} : vector<1x128xf32>, vector<128x128xf32>, vector<1x128xf32> -> vector<1x128xf32>
    %mul3A_317 = vector.broadcast %dot_general3A_316 : vector<1x128xf32> to vector<2048x128xf32>
    %mul3A_318 = arith.mulf %convert_element_type3A_22, %mul3A_317 : vector<2048x128xf32>
    %reduce_sum3A_319 = arith.constant dense<0.000000e+00> : vector<2048xf32>
    %reduce_sum3A_320 = vector.multi_reduction <add>, %mul3A_318, %reduce_sum3A_319 [1] : vector<2048x128xf32> to vector<2048xf32>
    %broadcast_in_dim3A_321 = vector.shape_cast %reduce_sum3A_320 : vector<2048xf32> to vector<2048x1xf32>
    %get3A_322 = arith.constant 0 : index
    %get3A_323 = arith.constant 0 : index
    %get3A_324 = vector.load %arg8[%get3A_322, %get3A_323] : memref<2048x1xf32, #tpu.memory_space<vmem>>, vector<2048x1xf32>
    %add3A_325 = arith.addf %broadcast_in_dim3A_321, %get3A_324 : vector<2048x1xf32>
    %convert_element_type3A_326 = arith.fptosi %add3A_325 : vector<2048x1xf32> to vector<2048x1xi32>
    %swap3A_327 = arith.constant 0 : index
    %swap3A_328 = arith.constant 0 : index
    %swap3A_329 = vector.load %arg5[%swap3A_327, %swap3A_328] : memref<2048x1xi32, #tpu.memory_space<vmem>>, vector<2048x1xi32>
    tpu.vector_store %arg5[%swap3A_327, %swap3A_328], %convert_element_type3A_326 {strides = array<i32>} : memref<2048x1xi32, #tpu.memory_space<vmem>>, vector<2048x1xi32>,
    %iota3A_330 = tpu.iota {dimensions = array<i32: 0>} : vector<16x128xi32>
    %convert_element_type3A_331 = arith.sitofp %iota3A_330 : vector<16x128xi32> to vector<16x128xf32>
    %iota3A_332 = tpu.iota {dimensions = array<i32: 1>} : vector<16x128xi32>
    %div3A_333 = arith.constant 2.560000e+02 : f32
    %div3A_334 = vector.broadcast %div3A_333 : f32 to vector<1x128xf32>
    %div3A_335 = arith.divf %dot_general3A_316, %div3A_334 : vector<1x128xf32>
    %div3A_336 = arith.constant 2.560000e+02 : f32
    %div3A_337 = vector.broadcast %div3A_336 : f32 to vector<1x128xf32>
    %div3A_338 = arith.divf %mul3A_309, %div3A_337 : vector<1x128xf32>
    %ge3A_339 = vector.broadcast %div3A_335 : vector<1x128xf32> to vector<16x128xf32>
    %ge3A_340 = arith.cmpf oge, %convert_element_type3A_331, %ge3A_339 : vector<16x128xf32>
    %add3A_341 = arith.addf %div3A_335, %div3A_338 : vector<1x128xf32>
    %lt3A_342 = vector.broadcast %add3A_341 : vector<1x128xf32> to vector<16x128xf32>
    %lt3A_343 = arith.cmpf olt, %convert_element_type3A_331, %lt3A_342 : vector<16x128xf32>
    %and3A = arith.andi %ge3A_340, %lt3A_343 : vector<16x128xi1>
    %jit3A_344 = arith.constant 0 : i32
    %broadcast_in_dim3A_345 = vector.broadcast %jit3A_344 : i32 to vector<16x128xi32>
    %select_n3A_346 = arith.select %and3A, %iota3A_332, %broadcast_in_dim3A_345 : vector<16x128xi1>, vector<16x128xi32>
    %reduce_sum3A_347 = arith.constant dense<0> : vector<16xi32>
    %reduce_sum3A_348 = vector.multi_reduction <add>, %select_n3A_346, %reduce_sum3A_347 [1] : vector<16x128xi32> to vector<16xi32>
    %broadcast_in_dim3A_349 = vector.shape_cast %reduce_sum3A_348 : vector<16xi32> to vector<16x1xi32>
    %swap3A_350 = arith.constant 0 : index
    %swap3A_351 = arith.constant 0 : index
    %swap3A_352 = vector.load %arg6[%swap3A_350, %swap3A_351] : memref<16x1xi32, #tpu.memory_space<vmem>>, vector<16x1xi32>
    tpu.vector_store %arg6[%swap3A_350, %swap3A_351], %broadcast_in_dim3A_349 {strides = array<i32>} : memref<16x1xi32, #tpu.memory_space<vmem>>, vector<16x1xi32>,
    %reduce_sum3A_353 = arith.constant dense<0.000000e+00> : vector<1xf32>
    %reduce_sum3A_354 = vector.multi_reduction <add>, %div3A_338, %reduce_sum3A_353 [1] : vector<1x128xf32> to vector<1xf32>
    %broadcast_in_dim3A_355 = vector.shape_cast %reduce_sum3A_354 : vector<1xf32> to vector<1x1xf32>
    %convert_element_type3A_356 = arith.fptosi %broadcast_in_dim3A_355 : vector<1x1xf32> to vector<1x1xi32>
    %swap3A_357 = arith.constant 0 : index
    %swap3A_358 = arith.constant 0 : index
    %swap3A_359 = vector.load %arg7[%swap3A_357, %swap3A_358] : memref<1x1xi32, #tpu.memory_space<vmem>>, vector<1x1xi32>
    tpu.vector_store %arg7[%swap3A_357, %swap3A_358], %convert_element_type3A_356 {strides = array<i32>} : memref<1x1xi32, #tpu.memory_space<vmem>>, vector<1x1xi32>,
    return
  }
}

module attributes {stable_mosaic.version = 14 : i64} {
  func.func @_mm_body(%arg0: i32, %arg1: memref<16xi32, #tpu.memory_space<smem>>, %arg2: memref<1xi32, #tpu.memory_space<smem>>, %arg3: memref<256x768xf32, #tpu.memory_space<vmem>>, %arg4: memref<768x768xf32, #tpu.memory_space<vmem>>, %arg5: memref<1x768xf32, #tpu.memory_space<vmem>>, %arg6: memref<1x768x768xf32, #tpu.memory_space<vmem>>, %arg7: memref<256x768xf32, #tpu.memory_space<vmem>>) attributes {dimension_semantics = [#tpu.dimension_semantics<arbitrary>], iteration_bounds = array<i64: 16>, scalar_prefetch = 2 : i64, scratch_operands = 0 : i64, tpu.core_type = #tpu.core_type<tc>, window_params = [{transform_indices = @transform_0, window_bounds = array<i64: 256, 768>}, {pipeline_mode = #tpu.pipeline_mode<synchronous>, transform_indices = @transform_1, window_bounds = array<i64: 768, 768>}, {pipeline_mode = #tpu.pipeline_mode<synchronous>, transform_indices = @transform_2, window_bounds = array<i64: 1, 768>}, {transform_indices = @transform_3, window_bounds = array<i64: 1, 768, 768>}, {transform_indices = @transform_4, window_bounds = array<i64: 256, 768>}]} {
    %get3A = arith.constant 0 : index
    %get3A_0 = memref.load %arg2[%get3A] : memref<1xi32, #tpu.memory_space<smem>>
    %lt3A = arith.cmpi slt, %arg0, %get3A_0 : i32
    %convert_element_type3A = arith.extui %lt3A : i1 to i32
    %cond3A = arith.constant 0 : i32
    %cond3A_1 = arith.cmpi ne, %convert_element_type3A, %cond3A : i32
    scf.if %cond3A_1 {
      %get3A_2 = arith.constant 0 : index
      %get3A_3 = arith.constant 0 : index
      %get3A_4 = vector.load %arg4[%get3A_2, %get3A_3] : memref<768x768xf32, #tpu.memory_space<vmem>>, vector<768x768xf32>
      %get3A_5 = arith.constant 0 : index
      %get3A_6 = arith.constant 0 : index
      %get3A_7 = arith.constant 0 : index
      %get3A_8 = vector.load %arg6[%get3A_5, %get3A_6, %get3A_7] : memref<1x768x768xf32, #tpu.memory_space<vmem>>, vector<1x768x768xf32>
      %get3A_9 = vector.shape_cast %get3A_8 : vector<1x768x768xf32> to vector<768x768xf32>
      %mul3A = arith.mulf %get3A_4, %get3A_9 : vector<768x768xf32>
      %get3A_10 = arith.constant 0 : index
      %get3A_11 = arith.constant 0 : index
      %get3A_12 = vector.load %arg3[%get3A_10, %get3A_11] : memref<256x768xf32, #tpu.memory_space<vmem>>, vector<256x768xf32>
      %dot_general3A = arith.constant dense<0.000000e+00> : vector<256x768xf32>
      %dot_general3A_13 = tpu.matmul %get3A_12, %mul3A, %dot_general3A {dimension_numbers = #tpu.dot_dimension_numbers<[1], [1], [0], [0], [0, 0, 1, 0], [], []>, transpose_lhs_hint = false} : vector<256x768xf32>, vector<768x768xf32>, vector<256x768xf32> -> vector<256x768xf32>
      %get3A_14 = arith.constant 0 : index
      %get3A_15 = arith.constant 0 : index
      %get3A_16 = vector.load %arg5[%get3A_14, %get3A_15] : memref<1x768xf32, #tpu.memory_space<vmem>>, vector<1x768xf32>
      %mul3A_17 = vector.broadcast %get3A_16 : vector<1x768xf32> to vector<256x768xf32>
      %mul3A_18 = arith.mulf %dot_general3A_13, %mul3A_17 : vector<256x768xf32>
      %swap3A = arith.constant 0 : index
      %swap3A_19 = arith.constant 0 : index
      %swap3A_20 = vector.load %arg7[%swap3A, %swap3A_19] : memref<256x768xf32, #tpu.memory_space<vmem>>, vector<256x768xf32>
      tpu.vector_store %arg7[%swap3A, %swap3A_19], %mul3A_18 {strides = array<i32>} : memref<256x768xf32, #tpu.memory_space<vmem>>, vector<256x768xf32>,
    } else {
    }
    return
  }
  func.func @transform_0(%arg0: i32, %arg1: memref<16xi32, #tpu.memory_space<smem>>, %arg2: memref<1xi32, #tpu.memory_space<smem>>) -> (i32, i32) {
    %c0_i32 = arith.constant 0 : i32
    %c0_i32_0 = arith.constant 0 : i32
    return %arg0, %c0_i32 : i32, i32
  }
  func.func @transform_1(%arg0: i32, %arg1: memref<16xi32, #tpu.memory_space<smem>>, %arg2: memref<1xi32, #tpu.memory_space<smem>>) -> (i32, i32) {
    %c0_i32 = arith.constant 0 : i32
    %c0_i32_0 = arith.constant 0 : i32
    %c0_i32_1 = arith.constant 0 : i32
    return %c0_i32, %c0_i32_0 : i32, i32
  }
  func.func @transform_2(%arg0: i32, %arg1: memref<16xi32, #tpu.memory_space<smem>>, %arg2: memref<1xi32, #tpu.memory_space<smem>>) -> (i32, i32) {
    %c0_i32 = arith.constant 0 : i32
    %c0_i32_0 = arith.constant 0 : i32
    %c0_i32_1 = arith.constant 0 : i32
    return %c0_i32, %c0_i32_0 : i32, i32
  }
  func.func @transform_3(%arg0: i32, %arg1: memref<16xi32, #tpu.memory_space<smem>>, %arg2: memref<1xi32, #tpu.memory_space<smem>>) -> (i32, i32, i32) {
    %get3A = arith.index_cast %arg0 : i32 to index
    %get3A_0 = memref.load %arg1[%get3A] : memref<16xi32, #tpu.memory_space<smem>>
    %c0_i32 = arith.constant 0 : i32
    %c0_i32_1 = arith.constant 0 : i32
    %c0_i32_2 = arith.constant 0 : i32
    return %get3A_0, %c0_i32, %c0_i32_1 : i32, i32, i32
  }
  func.func @transform_4(%arg0: i32, %arg1: memref<16xi32, #tpu.memory_space<smem>>, %arg2: memref<1xi32, #tpu.memory_space<smem>>) -> (i32, i32) {
    %c0_i32 = arith.constant 0 : i32
    %c0_i32_0 = arith.constant 0 : i32
    return %arg0, %c0_i32 : i32, i32
  }
}

</mosaic_0001>

<sc_bundles>
// kernel: kernel.6.cloned.1.call-start
scs
__scs_entry_jumppad:
0x0: {  	(pc) =	sbr.rel $0x88, $3  }
0x1: {  	(tag) =	ssettag $0x0;
	lr =	simm.s32 $0x1  }
0x2: {  	[smem:$0x3F9C] =	sst lr;
	_ =	strace $0xD0000000  }
0x3: {  	_ = 	snop  }
0x4: {  	_ = 	snop  }
0x5: {  	_ = 	snop  }
0x6: {  	_ = 	snop  }
0x7: {  	_ = 	snop  }
__scs_overlays_trampoline_lowered:
0x8: {  	[smem:$0x3FAB] =	sst s0  }
0x9: {  	[smem:$0x3FAC] =	sst s1  }
0xa: {  	[smem:$0x3FAD] =	sst s2  }
0xb: {  	[smem:$0x3FAE] =	sst s3  }
0xc: {  	[smem:$0x3FAF] =	sst s4  }
0xd: {  	[smem:$0x3FB0] =	sst s5  }
0xe: {  	[smem:$0x3FB1] =	sst s6  }
0xf: {  	[smem:$0x3FB2] =	sst s7  }
0x10: {  	[smem:$0x3FB3] =	sst s8  }
0x11: {  	[smem:$0x3FB4] =	sst s9;
	s0 =	simm.s32 @!p0 $0x0  }
0x12: {  	s1 =	sld [smem:$0x3F9A];
	s0 =	simm.s32 @p0 $0x1  }
0x13: {  	[smem:$0x3FB5] =	sst s0;
	s0 =	simm.s32 @!p1 $0x0  }
0x14: {  	s2 =	sld [smem:$0x3F99];
	s0 =	simm.s32 @p1 $0x1  }
0x15: {  	[smem:$0x3FB6] =	sst s0;
	s0 =	simm.s32 @!p2 $0x0  }
0x16: {  	s3 =	sld [smem:$0x3FDB];
	s0 =	simm.s32 @p2 $0x1  }
0x17: {  	s4 =	simm.s32 $0x1BF5;
	[smem:$0x3FB8] =	sst s0  }
0x18: {  	s0 =	sld [smem:$0x3F9B];
	_ =	swait.ge [sflag:s4], $0x0  }
0x19: {  	s7 =	sld [smem:$0x3F9C]  }
0x1a: {  	s8 =	sadd.s32 $0xFFFFE003, lr  }
0x1b: {  	s9 =	sadd.s32 $0xFFFFFEF7, lr;
	s5 =	simm.s32 $0xFFFFFFFF;
	p2 =	slt.u32 s8, $0xFFFFF086  }
0x1c: {  	p1 =	slt.u32 s9, $0xF7A;
	s5 =	simm.s32 @!p2 $0x0  }
0x1d: {  	s5 =	simm.s32 @p1 $0x1;
	p0 =	seq.s32 s7, s2  }
0x1e: {  	s7 =	smul.u32 @!p0 $0xF7A, s2;
	p2 =	seq.s32 @!p0 s5, $0x0  }
0x1f: {  	s9 =	smul.u32 $0xF7A, s1;
	s8 =	simm.s32 @!p0 $0x1BF5;
	p2 =	por !p2, p0  }
0x20: {  	[sflag:s8] =	ssyncset.s32 @!p0 $0xFFFFF086;
	s6 =	sadd.s32 @!p0 s3, s7;
	s7 =	simm.s32 @!p0 $0x108  }
0x21: {  	s3 =	sadd.s32 s3, s9;
	s6 =	sadd.s32 @!p0 $0x88, s6;
	s7 =	simm.s32 @p2 $0x1082  }
0x22: {  	[simem:s7], [sflag:s8] =	dma.local @!p0 [hbm:s6], $0xF7A  }
0x23: {  	s9 =	sor.u32 $0xD0000000, s2;
	s6 =	simm.s32 $0x108;
	_ =	swait.ge @!p0 [sflag:s8], $0x0  }
0x24: {  	s3 =	sadd.s32 $0x88, s3;
	s6 =	simm.s32 @!p1 $0x1082;
	[sflag:s4] =	ssyncset.s32 $0xFFFFF086  }
0x25: {  	[simem:s6], [sflag:s4] =	dma.local [hbm:s3], $0xF7A  }
0x26: {  	[smem:$0x3F9C] =	sst s1;
	(tag) =	ssettag s2;
	_ =	strace s9  }
0x27: {  	s1 =	sld [smem:$0x3FAC]  }
0x28: {  	s2 =	sld [smem:$0x3FAD]  }
0x29: {  	s4 =	sld [smem:$0x3FAF]  }
0x2a: {  	p0 =	seq.s32 s5, $0x0;
	s5 =	sld [smem:$0x3FB0]  }
0x2b: {  	s6 =	sld [smem:$0x3FB1]  }
0x2c: {  	s7 =	sld [smem:$0x3FB2]  }
0x2d: {  	s3 =	simm.s32 $0x108;
	s8 =	sld [smem:$0x3FB3]  }
0x2e: {  	s3 =	simm.s32 @!p0 $0x1082;
	s9 =	sld [smem:$0x3FB4]  }
0x2f: {  	lr =	sadd.s32 s0, s3;
	s0 =	sld [smem:$0x3FAB]  }
0x30: {  	s3 =	sld [smem:$0x3FAE]  }
0x31: {  	[smem:$0x3FB7] =	sst s10  }
0x32: {  	s10 =	sld [smem:$0x3FB5];
	_ =	sdelay $0x3  }
0x33: {  	p0 =	seq.s32 s10, $0x1;
	s10 =	sld [smem:$0x3FB7];
	_ =	sdelay $0x3  }
0x34: {  	[smem:$0x3FB7] =	sst s10  }
0x35: {  	s10 =	sld [smem:$0x3FB6];
	_ =	sdelay $0x3  }
0x36: {  	p1 =	seq.s32 s10, $0x1;
	s10 =	sld [smem:$0x3FB7];
	_ =	sdelay $0x3  }
0x37: {  	[smem:$0x3FB7] =	sst s10  }
0x38: {  	s10 =	sld [smem:$0x3FB8]  }
0x39: {  	_ = 	snop;
	(pc) =	sbr.ind lr, $3  }
0x3a: {  	_ = 	snop  }
0x3b: {  	_ = 	snop  }
0x3c: {  	p2 =	seq.s32 s10, $0x1;
	s10 =	sld [smem:$0x3FB7]  }
0x3d: {  	_ =	shalt  }
0x3e: {  	_ =	shalt  }
0x3f: {  	_ =	shalt  }
0x40: {  	_ =	shalt  }
0x41: {  	_ =	shalt  }
0x42: {  	_ =	shalt  }
0x43: {  	_ =	shalt  }
0x44: {  	_ =	shalt  }
0x45: {  	_ =	shalt  }
0x46: {  	_ =	shalt  }
0x47: {  	_ =	shalt  }
0x48: {  	_ =	shalt  }
0x49: {  	_ =	shalt  }
0x4a: {  	_ =	shalt  }
0x4b: {  	_ =	shalt  }
0x4c: {  	_ =	shalt  }
0x4d: {  	_ =	shalt  }
0x4e: {  	_ =	shalt  }
0x4f: {  	_ =	shalt  }
0x50: {  	_ =	shalt  }
0x51: {  	_ =	shalt  }
0x52: {  	_ =	shalt  }
0x53: {  	_ =	shalt  }
0x54: {  	_ =	shalt  }
0x55: {  	_ =	shalt  }
0x56: {  	_ =	shalt  }
0x57: {  	_ =	shalt  }
0x58: {  	_ =	shalt  }
0x59: {  	_ =	shalt  }
0x5a: {  	_ =	shalt  }
0x5b: {  	_ =	shalt  }
0x5c: {  	_ =	shalt  }
0x5d: {  	_ =	shalt  }
0x5e: {  	_ =	shalt  }
0x5f: {  	_ =	shalt  }
0x60: {  	_ =	shalt  }
0x61: {  	_ =	shalt  }
0x62: {  	_ =	shalt  }
0x63: {  	_ =	shalt  }
0x64: {  	_ =	shalt  }
0x65: {  	_ =	shalt  }
0x66: {  	_ =	shalt  }
0x67: {  	_ =	shalt  }
0x68: {  	_ =	shalt  }
0x69: {  	_ =	shalt  }
0x6a: {  	_ =	shalt  }
0x6b: {  	_ =	shalt  }
0x6c: {  	_ =	shalt  }
0x6d: {  	_ =	shalt  }
0x6e: {  	_ =	shalt  }
0x6f: {  	_ =	shalt  }
0x70: {  	_ =	shalt  }
0x71: {  	_ =	shalt  }
0x72: {  	_ =	shalt  }
0x73: {  	_ =	shalt  }
0x74: {  	_ =	shalt  }
0x75: {  	_ =	shalt  }
0x76: {  	_ =	shalt  }
0x77: {  	_ =	shalt  }
0x78: {  	_ =	shalt  }
0x79: {  	_ =	shalt  }
0x7a: {  	_ =	shalt  }
0x7b: {  	_ =	shalt  }
0x7c: {  	_ =	shalt  }
0x7d: {  	_ =	shalt  }
0x7e: {  	_ =	shalt  }
0x7f: {  	_ =	shalt  }
0x80: {  	_ =	shalt  }
0x81: {  	_ =	shalt  }
0x82: {  	_ =	shalt  }
0x83: {  	_ =	shalt  }
0x84: {  	_ =	shalt  }
0x85: {  	_ =	shalt  }
0x86: {  	_ =	shalt  }
0x87: {  	_ =	shalt  }
.Lfunc_end0:
.L_simem_size_0:
called_computation_lowered:
.L_overlay_start_0:
0x88: {  	s2 =	sld [smem:$0x3FD9]  }
0x89: {  	s3 =	sld [smem:$0x3FFE];
	_ =	sdelay $0x1  }
0x8a: {  	s1 =	srdreg.scid  }
0x8b: {  	s0 =	sand.u32 $0x1, s1  }
0x8c: {  	s17 =	sshll.u32 s0, $0xA;
	s2 =	sadd.s32 s3, s2  }
0x8d: {  	s2 =	sadd.s32 s2, s17  }
0x8e: {  	[smem:$0x3FC3] =	sst s2  }
0x8f: {  	_ = 	snop  }
0x90: {  	s2 =	sld [smem:$0x3FD0];
	(tm) =	ssettm $0x1  }
0x91: {  	s18 =	sld [smem:$0x3FFB];
	_ =	sdelay $0x3  }
0x92: {  	_ =	strace s18  }
0x93: {  	s3 =	sld [smem:$0x3FFC];
	_ =	sdelay $0x3  }
0x94: {  	_ =	strace s3  }
0x95: {  	s3 =	sld [smem:$0x3FFD];
	_ =	sdelay $0x3  }
0x96: {  	_ =	strace s3  }
0x97: {  	_ =	strace $0x8FFFFFFF  }
0x98: {  	s19 =	sld [smem:$0x3FDB];
	_ =	sdelay $0x1  }
0x99: {  	s4 =	simm.s32 $_scs_section_size  }
0x9a: {  	s5 =	simm.s32 $_size__tile_overlayer_lowered;
	s6 =	simm.s32 $_tile_overlayer_lowered  }
0x9b: {  	s22 =	simm.s32 $0x1BFF;
	s21 =	sshll.u32 s6, $0x1;
	s3 =	sadd.s32 s4, s19  }
0x9c: {  	s7 =	simm.s32 $0x0;
	s20 =	sshll.u32 s5, $0x1;
	s5 =	sadd.s32 s21, s3  }
0x9d: {  	[timem:s7], [sflag:s22] =	dma.local [hbm:s5], s20  }
0x9e: {  	_ =	swait.ge [sflag:s22], s20  }
0x9f: {  	s4 =	ssub.s32 $0x0, s20;
	[sflag:s22] =	ssyncset.done $0x0  }
0xa0: {  	[sflag:s22] =	ssyncadd.s32 s4;
	_ =	sdelay $0x1  }
0xa1: {  	s23 =	simm.s32 $0x1B8B  }
0xa2: {  	_ =	swait.ge [sflag:s23], $0x1  }
0xa3: {  	[sflag:s23] =	ssyncset.done $0x0  }
0xa4: {  	s25 =	simm.s32 $0x1B8E;
	s24 =	sld [smem:$0x3FFE];
	[sflag:s23] =	ssyncadd.s32 $0xFFFFFFFF  }
0xa5: {  	s26 =	simm.s32 $execute0_lowered;
	[smem:$0x3FD2] =	sst s25  }
0xa6: {  	s5 =	sshll.u32 s26, $0x1;
	_ =	strace $0x80000046;
	[dreg:$0x1] =	wrdreg $0xFFFFFFFF  }
0xa7: {  	s28 =	simm.s32 $_size_execute0_lowered;
	s3 =	sadd.s32 s3, s5;
	[dreg:$0x0] =	wrdreg $0x0  }
0xa8: {  	s5 =	sshll.u32 s28, $0x1;
	[dreg:$0x2] =	wrdreg s3  }
0xa9: {  	[dreg:$0x3] =	wrdreg s5  }
0xaa: {  	[dreg:$0x4] =	wrdreg $0xC0  }
0xab: {  	_ =	task [dreg:s7], $0x5FFFF  }
0xac: {  	[dreg:$0x1] =	wrdreg $0xFFFFFFFF  }
0xad: {  	[dreg:$0x0] =	wrdreg $0x60  }
0xae: {  	[dreg:$0x2] =	wrdreg s2  }
0xaf: {  	[dreg:$0x3] =	wrdreg s24  }
0xb0: {  	[dreg:$0x4] =	wrdreg $0x9  }
0xb1: {  	_ =	task.clear_ibuf [dreg:s7], $0x5FFFF;
	_ =	strace $0x90000046  }
0xb2: {  	s29 =	simm.s32 $0x9;
	_ =	strace $0x80000048  }
0xb3: {  	_ =	swait.ge [sflag:s29], $0x1  }
0xb4: {  	[sflag:s29] =	ssyncadd.s32 $0xFFFFFFFF  }
0xb5: {  	_ =	strace $0x90000048  }
0xb6: {  	_ =	sfence  }
0xb7: {  	s30 =	sld [smem:$0x0];
	_ =	sdelay $0x2  }
0xb8: {  	s31 =	sshll.u32 s1, $0xD;
	s1 =	sshrl.u32 s1, $0x2  }
0xb9: {  	s3 =	sand.u32 $0x4000, s31;
	s1 =	sadd.s32 s1, s30  }
0xba: {  	s0 =	sor.u32 s3, s0;
	s1 =	sshll.u32 s1, $0x11  }
0xbb: {  	s0 =	sor.u32 s1, s0  }
0xbc: {  	s0 =	sadd.s32 $0x8F2B, s0  }
0xbd: {  	[sflag:s0] =	ssyncadd.remote.s32 $0x1  }
0xbe: {  	_ =	sfence.sel $0xFFFF  }
0xbf: {  	[dreg:$0x0] =	wrdreg $0xFFFFFFFF;
	(pc) =	sbr.abs _section_cstart, $3  }
0xc0: {  	[dreg:$0x1] =	wrdreg $0xFFFFFFFF  }
0xc1: {  	_ =	task.clear_ibuf [dreg:s7], $0x2FFFF;
	_ =	strace $0x9FFFFFFF  }
0xc2: {  	(tm) =	ssettm $0x7FFFFFFF  }
0xc3: {  	_ =	shalt  }
tec
execute0_lowered:
.L_overlay_start_1:
0x0: {  	(tag) =	ssettag $0x1  }
0x1: {  	s1 =	srdreg.scid  }
0x2: {  	s3 =	rddreg [dreg:$0x0];
	s0 =	stileid.u32  }
0x3: {  	s5 =	rddreg [dreg:$0x1];
	s2 =	simm.s32 $0x0;
	s8 =	simm.s32 $0x80  }
0x4: {  	s26 =	simm.s32 $0x880;
	s9 =	simm.s32 $0x1080;
	s10 =	simm.s32 $0x1880  }
0x5: {  	s11 =	simm.s32 $0x2080;
	s12 =	simm.s32 $0x2880;
	s13 =	simm.s32 $0x3080  }
0x6: {  	s14 =	simm.s32 $0x3880;
	s15 =	simm.s32 $0x4080;
	s16 =	simm.s32 $0x4880  }
0x7: {  	s17 =	simm.s32 $0x5080;
	s18 =	simm.s32 $0x5880;
	s19 =	simm.s32 $0x6080  }
0x8: {  	s20 =	simm.s32 $0x6880;
	s21 =	simm.s32 $0x7080;
	s22 =	simm.s32 $0x7880  }
0x9: {  	s23 =	simm.s32 $0x8080;
	s24 =	simm.s32 $0x8880;
	s25 =	simm.s32 $0x9080  }
0xa: {  	s28 =	simm.s32 $0xA080;
	s29 =	simm.s32 $0xA880;
	s30 =	simm.s32 $0xB080  }
0xb: {  	s31 =	simm.s32 $0xB880;
	s1 =	sand.u32 $0x1, s1;
	[smem:$0x7FF] =	sst s2  }
0xc: {  	s4 =	sshll.u32 s0, $0x4;
	s6 =	sshll.u32 s1, $0x3;
	_ =	strace $0x80000047  }
0xd: {  	s1 =	ssub.s32 $0x2, s1;
	[dreg:$0x5] =	wrdreg s26;
	s4 =	sor.u32 s6, s4  }
0xe: {  	s7 =	sshrl.u32 s1, $0x1;
	s6 =	sadd.s32 s4, s5;
	s4 =	smul.u32 $0x300, s4  }
0xf: {  	s26 =	simm.s32 $0x9880;
	s1 =	ssub.s32 s1, s7;
	s6 =	sadd.s32 $0xC00, s6  }
0x10: {  	v2 =	vlaneseq.u32;
	s7 =	simm.s32 $0x2;
	[dreg:$0x3] =	wrdreg s6;
	s4 =	sadd.s32 s3, s4  }
0x11: {  	vm0 =	vmmov $0xffff;
	v1 =	vshrl.u32 v2, $0x3;
	s3 =	sadd.s32 $0xE00, s5;
	s6 =	smax.u32 s1, $0x1;
	s1 =	simm.s32 $0x1  }
0x12: {  	v0 =	vand.u32 $0x7, v2;
	v2 =	vor.u32 $0x8, v2;
	v1 =	vmul.u32 $0x8, v1;
	[dreg:$0x4] =	wrdreg s4;
	s4 =	sadd.s32 $0xF00, s5;
	s5 =	sadd.s32 $0x1000, s5  }
.LBB2_1:
0x13: {  	s0 =	rddreg [dreg:$0x3]  }
0x14: {  	[tilespmem:s2], [sflag:$0x2] =	stream.linear.gather [hbm4b:s0+s2], $0x40, $0x38;
	[tilespmem:$0xC080] =	vst v63  }
0x15: {  	_ =	swait.ge [sflag:s7], $0x40  }
0x16: {  	[sflag:s7] =	ssyncset.done $0x0  }
0x17: {  	s0 =	rddreg [dreg:$0x4];
	[sflag:s7] =	ssyncadd.s32 $0xFFFFFFC0  }
0x18: {  	[tilespmem:s8], [sflag:$0x2] =	stream.linear.gather [hbm4b:s0+s2], $0xC000, $0x38;
	[tilespmem:$0xC080] =	vst v63  }
0x19: {  	_ =	swait.ge [sflag:s7], $0xC000  }
0x1a: {  	[sflag:s7] =	ssyncset.done $0x0  }
0x1b: {  	[sflag:s7] =	ssyncadd.s32 $0xFFFF4000  }
0x1c: {  	v3 =	vld [tilespmem:$0x0];
	_ =	sdelay $0x4  }
0x1d: {  	v4 =	vshrl.u32 v3, $0x3  }
0x1e: {  	v4 =	vmul.u32 $0x30, v4  }
0x1f: {  	v3 =	vand.u32 $0x7, v3  }
0x20: {  	v3 =	vor.u32 v3, v4  }
0x21: {  	v4 =	vperm.xlane v3, v0;
	_ =	sdelay $0x1  }
0x22: {  	v4 =	vadd.s32 v1, v4;
	_ =	sdelay $0x3  }
0x23: {  	v3 =	vperm.xlane v3, v2  }
0x24: {  	[hbm4b:s3+s2] =	stream.indirect_vreg.scatter [tilespmem:s8], [sflag:$0x1], $0x80, v4, vm0, $0xb8;
	[tilespmem:$0xC080] =	vst v63  }
0x25: {  	s0 =	rddreg [dreg:$0x5];
	v3 =	vadd.s32 v1, v3  }
0x26: {  	[hbm4b:s4+s2] =	stream.indirect_vreg.scatter [tilespmem:s0], [sflag:$0x1], $0x80, v4, vm0, $0xb8;
	[tilespmem:$0xC080] =	vst v63  }
0x27: {  	_ = 	snop  }
0x28: {  	[hbm4b:s5+s2] =	stream.indirect_vreg.scatter [tilespmem:s9], [sflag:$0x1], $0x80, v4, vm0, $0xb8;
	[tilespmem:$0xC080] =	vst v63  }
0x29: {  	_ = 	snop  }
0x2a: {  	[hbm4b:s3+s2] =	stream.indirect_vreg.scatter [tilespmem:s10], [sflag:$0x1], $0x80, v3, vm0, $0xb8;
	[tilespmem:$0xC080] =	vst v63  }
0x2b: {  	_ = 	snop  }
0x2c: {  	[hbm4b:s4+s2] =	stream.indirect_vreg.scatter [tilespmem:s11], [sflag:$0x1], $0x80, v3, vm0, $0xb8;
	[tilespmem:$0xC080] =	vst v63  }
0x2d: {  	_ = 	snop  }
0x2e: {  	[hbm4b:s5+s2] =	stream.indirect_vreg.scatter [tilespmem:s12], [sflag:$0x1], $0x80, v3, vm0, $0xb8;
	[tilespmem:$0xC080] =	vst v63  }
0x2f: {  	v3 =	vld [tilespmem:$0x10];
	_ =	sdelay $0x4  }
0x30: {  	v61 =	vshrl.u32 v3, $0x3  }
0x31: {  	v4 =	vmul.u32 $0x30, v61  }
0x32: {  	v3 =	vand.u32 $0x7, v3  }
0x33: {  	v3 =	vor.u32 v3, v4  }
0x34: {  	v4 =	vperm.xlane v3, v0;
	_ =	sdelay $0x1  }
0x35: {  	v4 =	vadd.s32 v1, v4;
	_ =	sdelay $0x3  }
0x36: {  	v3 =	vperm.xlane v3, v2  }
0x37: {  	[hbm4b:s3+s2] =	stream.indirect_vreg.scatter [tilespmem:s13], [sflag:$0x1], $0x80, v4, vm0, $0xb8;
	[tilespmem:$0xC080] =	vst v63  }
0x38: {  	v3 =	vadd.s32 v1, v3  }
0x39: {  	[hbm4b:s4+s2] =	stream.indirect_vreg.scatter [tilespmem:s14], [sflag:$0x1], $0x80, v4, vm0, $0xb8;
	[tilespmem:$0xC080] =	vst v63  }
0x3a: {  	_ = 	snop  }
0x3b: {  	[hbm4b:s5+s2] =	stream.indirect_vreg.scatter [tilespmem:s15], [sflag:$0x1], $0x80, v4, vm0, $0xb8;
	[tilespmem:$0xC080] =	vst v63  }
0x3c: {  	_ = 	snop  }
0x3d: {  	[hbm4b:s3+s2] =	stream.indirect_vreg.scatter [tilespmem:s16], [sflag:$0x1], $0x80, v3, vm0, $0xb8;
	[tilespmem:$0xC080] =	vst v63  }
0x3e: {  	_ = 	snop  }
0x3f: {  	[hbm4b:s4+s2] =	stream.indirect_vreg.scatter [tilespmem:s17], [sflag:$0x1], $0x80, v3, vm0, $0xb8;
	[tilespmem:$0xC080] =	vst v63  }
0x40: {  	_ = 	snop  }
0x41: {  	[hbm4b:s5+s2] =	stream.indirect_vreg.scatter [tilespmem:s18], [sflag:$0x1], $0x80, v3, vm0, $0xb8;
	[tilespmem:$0xC080] =	vst v63  }
0x42: {  	v3 =	vld [tilespmem:$0x20];
	_ =	sdelay $0x4  }
0x43: {  	v62 =	vshrl.u32 v3, $0x3  }
0x44: {  	v4 =	vmul.u32 $0x30, v62  }
0x45: {  	v3 =	vand.u32 $0x7, v3  }
0x46: {  	v3 =	vor.u32 v3, v4  }
0x47: {  	v4 =	vperm.xlane v3, v0;
	_ =	sdelay $0x1  }
0x48: {  	v4 =	vadd.s32 v1, v4;
	_ =	sdelay $0x3  }
0x49: {  	v3 =	vperm.xlane v3, v2  }
0x4a: {  	[hbm4b:s3+s2] =	stream.indirect_vreg.scatter [tilespmem:s19], [sflag:$0x1], $0x80, v4, vm0, $0xb8;
	[tilespmem:$0xC080] =	vst v63  }
0x4b: {  	v3 =	vadd.s32 v1, v3  }
0x4c: {  	[hbm4b:s4+s2] =	stream.indirect_vreg.scatter [tilespmem:s20], [sflag:$0x1], $0x80, v4, vm0, $0xb8;
	[tilespmem:$0xC080] =	vst v63  }
0x4d: {  	_ = 	snop  }
0x4e: {  	[hbm4b:s5+s2] =	stream.indirect_vreg.scatter [tilespmem:s21], [sflag:$0x1], $0x80, v4, vm0, $0xb8;
	[tilespmem:$0xC080] =	vst v63  }
0x4f: {  	_ = 	snop  }
0x50: {  	[hbm4b:s3+s2] =	stream.indirect_vreg.scatter [tilespmem:s22], [sflag:$0x1], $0x80, v3, vm0, $0xb8;
	[tilespmem:$0xC080] =	vst v63  }
0x51: {  	_ = 	snop  }
0x52: {  	[hbm4b:s4+s2] =	stream.indirect_vreg.scatter [tilespmem:s23], [sflag:$0x1], $0x80, v3, vm0, $0xb8;
	[tilespmem:$0xC080] =	vst v63  }
0x53: {  	_ = 	snop  }
0x54: {  	[hbm4b:s5+s2] =	stream.indirect_vreg.scatter [tilespmem:s24], [sflag:$0x1], $0x80, v3, vm0, $0xb8;
	[tilespmem:$0xC080] =	vst v63  }
0x55: {  	v3 =	vld [tilespmem:$0x30];
	_ =	sdelay $0x4  }
0x56: {  	v63 =	vshrl.u32 v3, $0x3  }
0x57: {  	v4 =	vmul.u32 $0x30, v63  }
0x58: {  	v3 =	vand.u32 $0x7, v3  }
0x59: {  	v3 =	vor.u32 v3, v4  }
0x5a: {  	v4 =	vperm.xlane v3, v0;
	_ =	sdelay $0x1  }
0x5b: {  	v4 =	vadd.s32 v1, v4;
	_ =	sdelay $0x3  }
0x5c: {  	v3 =	vperm.xlane v3, v2  }
0x5d: {  	[hbm4b:s3+s2] =	stream.indirect_vreg.scatter [tilespmem:s25], [sflag:$0x1], $0x80, v4, vm0, $0xb8;
	[tilespmem:$0xC080] =	vst v63  }
0x5e: {  	v3 =	vadd.s32 v1, v3  }
0x5f: {  	[hbm4b:s4+s2] =	stream.indirect_vreg.scatter [tilespmem:s26], [sflag:$0x1], $0x80, v4, vm0, $0xb8;
	[tilespmem:$0xC080] =	vst v63  }
0x60: {  	_ = 	snop  }
0x61: {  	[hbm4b:s5+s2] =	stream.indirect_vreg.scatter [tilespmem:s28], [sflag:$0x1], $0x80, v4, vm0, $0xb8;
	[tilespmem:$0xC080] =	vst v63  }
0x62: {  	_ = 	snop  }
0x63: {  	[hbm4b:s3+s2] =	stream.indirect_vreg.scatter [tilespmem:s29], [sflag:$0x1], $0x80, v3, vm0, $0xb8;
	[tilespmem:$0xC080] =	vst v63  }
0x64: {  	p0 =	sne.s32 s6, $0x1  }
0x65: {  	[hbm4b:s4+s2] =	stream.indirect_vreg.scatter [tilespmem:s30], [sflag:$0x1], $0x80, v3, vm0, $0xb8;
	[tilespmem:$0xC080] =	vst v63  }
.Ltmp0:
0x66: {  	_ = 	snop;
	(pc) =	sbr.rel @p0 .LBB2_1-.Ltmp0, $4  }
0x67: {  	[hbm4b:s5+s2] =	stream.indirect_vreg.scatter [tilespmem:s31], [sflag:$0x1], $0x80, v3, vm0, $0xb8;
	[tilespmem:$0xC080] =	vst v63  }
0x68: {  	_ =	swait.ge [sflag:s1], $0xC000  }
0x69: {  	[sflag:s1] =	ssyncset.done $0x0  }
0x6a: {  	s6 =	sadd.s32 $0xFFFFFFFF, s6;
	[sflag:s1] =	ssyncadd.s32 $0xFFFF4000  }
0x6b: {  	_ =	sfence.sel $0x180000  }
0x6c: {  	[bflag:$0x0] =	sbarrier.arrive $0xFFFF  }
0x6d: {  	_ =	strace $0x90000047  }
0x6e: {  	s0 =	stileid.u32;
	[bflag:$0x2] =	sbarrier.arrive $0xFFFF  }
0x6f: {  	p0 =	sne.s32 s0, $0x0;
	s0 =	rddreg [dreg:$0x2]  }
0x70: {  	s0 =	sadd.s32 @!p0 $0x100000, s0  }
0x71: {  	[sflag:s0] =	ssyncadd.tile.s32 @!p0 $0x1;
	_ =	shalt  }
.Lfunc_end2:
_tile_overlayer_lowered:
.L_overlay_start_2:
0x72: {  	(tag) =	ssettag $0x2  }
0x73: {  	s0 =	rddreg [dreg:$0x0];
	s2 =	stileid.u32  }
0x74: {  	s1 =	rddreg [dreg:$0x1];
	p0 =	sne.s32 s2, $0x0  }
0x75: {  	s3 =	rddreg [dreg:$0x2];
	[bflag:$0x3] =	sbarrier.arrive $0xFFFF;
	s2 =	simm.s32 @!p0 $0x1C02  }
0x76: {  	[timem:s3], [sflag:s2] =	dma.local @!p0 [hbm:s0], s1  }
0x77: {  	s0 =	simm.s32 @!p0 $0x2  }
0x78: {  	_ =	swait.ge @!p0 [sflag:s0], s1  }
0x79: {  	s1 =	ssub.s32 @!p0 $0x0, s1;
	[sflag:s0] =	ssyncset.done @!p0 $0x0  }
0x7a: {  	[sflag:s0] =	ssyncadd.s32 @!p0 s1  }
0x7b: {  	[bflag:$0x3] =	sbarrier.arrive $0xFFFF  }
0x7c: {  	_ =	shalt  }

// kernel: kernel.9.cloned.1.call-start
scs
__scs_entry_jumppad:
0x0: {  	(pc) =	sbr.rel $0x88, $3  }
0x1: {  	(tag) =	ssettag $0x0;
	lr =	simm.s32 $0x1  }
0x2: {  	[smem:$0x3F9C] =	sst lr;
	_ =	strace $0xD0000000  }
0x3: {  	_ = 	snop  }
0x4: {  	_ = 	snop  }
0x5: {  	_ = 	snop  }
0x6: {  	_ = 	snop  }
0x7: {  	_ = 	snop  }
__scs_overlays_trampoline_lowered:
0x8: {  	[smem:$0x3FAB] =	sst s0  }
0x9: {  	[smem:$0x3FAC] =	sst s1  }
0xa: {  	[smem:$0x3FAD] =	sst s2  }
0xb: {  	[smem:$0x3FAE] =	sst s3  }
0xc: {  	[smem:$0x3FAF] =	sst s4  }
0xd: {  	[smem:$0x3FB0] =	sst s5  }
0xe: {  	[smem:$0x3FB1] =	sst s6  }
0xf: {  	[smem:$0x3FB2] =	sst s7  }
0x10: {  	[smem:$0x3FB3] =	sst s8  }
0x11: {  	[smem:$0x3FB4] =	sst s9;
	s0 =	simm.s32 @!p0 $0x0  }
0x12: {  	s1 =	sld [smem:$0x3F9A];
	s0 =	simm.s32 @p0 $0x1  }
0x13: {  	[smem:$0x3FB5] =	sst s0;
	s0 =	simm.s32 @!p1 $0x0  }
0x14: {  	s2 =	sld [smem:$0x3F99];
	s0 =	simm.s32 @p1 $0x1  }
0x15: {  	[smem:$0x3FB6] =	sst s0;
	s0 =	simm.s32 @!p2 $0x0  }
0x16: {  	s3 =	sld [smem:$0x3FDB];
	s0 =	simm.s32 @p2 $0x1  }
0x17: {  	s4 =	simm.s32 $0x1BF5;
	[smem:$0x3FB8] =	sst s0  }
0x18: {  	s0 =	sld [smem:$0x3F9B];
	_ =	swait.ge [sflag:s4], $0x0  }
0x19: {  	s7 =	sld [smem:$0x3F9C]  }
0x1a: {  	s8 =	sadd.s32 $0xFFFFE003, lr  }
0x1b: {  	s9 =	sadd.s32 $0xFFFFFEF7, lr;
	s5 =	simm.s32 $0xFFFFFFFF;
	p2 =	slt.u32 s8, $0xFFFFF086  }
0x1c: {  	p1 =	slt.u32 s9, $0xF7A;
	s5 =	simm.s32 @!p2 $0x0  }
0x1d: {  	s5 =	simm.s32 @p1 $0x1;
	p0 =	seq.s32 s7, s2  }
0x1e: {  	s7 =	smul.u32 @!p0 $0xF7A, s2;
	p2 =	seq.s32 @!p0 s5, $0x0  }
0x1f: {  	s9 =	smul.u32 $0xF7A, s1;
	s8 =	simm.s32 @!p0 $0x1BF5;
	p2 =	por !p2, p0  }
0x20: {  	[sflag:s8] =	ssyncset.s32 @!p0 $0xFFFFF086;
	s6 =	sadd.s32 @!p0 s3, s7;
	s7 =	simm.s32 @!p0 $0x108  }
0x21: {  	s3 =	sadd.s32 s3, s9;
	s6 =	sadd.s32 @!p0 $0x88, s6;
	s7 =	simm.s32 @p2 $0x1082  }
0x22: {  	[simem:s7], [sflag:s8] =	dma.local @!p0 [hbm:s6], $0xF7A  }
0x23: {  	s9 =	sor.u32 $0xD0000000, s2;
	s6 =	simm.s32 $0x108;
	_ =	swait.ge @!p0 [sflag:s8], $0x0  }
0x24: {  	s3 =	sadd.s32 $0x88, s3;
	s6 =	simm.s32 @!p1 $0x1082;
	[sflag:s4] =	ssyncset.s32 $0xFFFFF086  }
0x25: {  	[simem:s6], [sflag:s4] =	dma.local [hbm:s3], $0xF7A  }
0x26: {  	[smem:$0x3F9C] =	sst s1;
	(tag) =	ssettag s2;
	_ =	strace s9  }
0x27: {  	s1 =	sld [smem:$0x3FAC]  }
0x28: {  	s2 =	sld [smem:$0x3FAD]  }
0x29: {  	s4 =	sld [smem:$0x3FAF]  }
0x2a: {  	p0 =	seq.s32 s5, $0x0;
	s5 =	sld [smem:$0x3FB0]  }
0x2b: {  	s6 =	sld [smem:$0x3FB1]  }
0x2c: {  	s7 =	sld [smem:$0x3FB2]  }
0x2d: {  	s3 =	simm.s32 $0x108;
	s8 =	sld [smem:$0x3FB3]  }
0x2e: {  	s3 =	simm.s32 @!p0 $0x1082;
	s9 =	sld [smem:$0x3FB4]  }
0x2f: {  	lr =	sadd.s32 s0, s3;
	s0 =	sld [smem:$0x3FAB]  }
0x30: {  	s3 =	sld [smem:$0x3FAE]  }
0x31: {  	[smem:$0x3FB7] =	sst s10  }
0x32: {  	s10 =	sld [smem:$0x3FB5];
	_ =	sdelay $0x3  }
0x33: {  	p0 =	seq.s32 s10, $0x1;
	s10 =	sld [smem:$0x3FB7];
	_ =	sdelay $0x3  }
0x34: {  	[smem:$0x3FB7] =	sst s10  }
0x35: {  	s10 =	sld [smem:$0x3FB6];
	_ =	sdelay $0x3  }
0x36: {  	p1 =	seq.s32 s10, $0x1;
	s10 =	sld [smem:$0x3FB7];
	_ =	sdelay $0x3  }
0x37: {  	[smem:$0x3FB7] =	sst s10  }
0x38: {  	s10 =	sld [smem:$0x3FB8]  }
0x39: {  	_ = 	snop;
	(pc) =	sbr.ind lr, $3  }
0x3a: {  	_ = 	snop  }
0x3b: {  	_ = 	snop  }
0x3c: {  	p2 =	seq.s32 s10, $0x1;
	s10 =	sld [smem:$0x3FB7]  }
0x3d: {  	_ =	shalt  }
0x3e: {  	_ =	shalt  }
0x3f: {  	_ =	shalt  }
0x40: {  	_ =	shalt  }
0x41: {  	_ =	shalt  }
0x42: {  	_ =	shalt  }
0x43: {  	_ =	shalt  }
0x44: {  	_ =	shalt  }
0x45: {  	_ =	shalt  }
0x46: {  	_ =	shalt  }
0x47: {  	_ =	shalt  }
0x48: {  	_ =	shalt  }
0x49: {  	_ =	shalt  }
0x4a: {  	_ =	shalt  }
0x4b: {  	_ =	shalt  }
0x4c: {  	_ =	shalt  }
0x4d: {  	_ =	shalt  }
0x4e: {  	_ =	shalt  }
0x4f: {  	_ =	shalt  }
0x50: {  	_ =	shalt  }
0x51: {  	_ =	shalt  }
0x52: {  	_ =	shalt  }
0x53: {  	_ =	shalt  }
0x54: {  	_ =	shalt  }
0x55: {  	_ =	shalt  }
0x56: {  	_ =	shalt  }
0x57: {  	_ =	shalt  }
0x58: {  	_ =	shalt  }
0x59: {  	_ =	shalt  }
0x5a: {  	_ =	shalt  }
0x5b: {  	_ =	shalt  }
0x5c: {  	_ =	shalt  }
0x5d: {  	_ =	shalt  }
0x5e: {  	_ =	shalt  }
0x5f: {  	_ =	shalt  }
0x60: {  	_ =	shalt  }
0x61: {  	_ =	shalt  }
0x62: {  	_ =	shalt  }
0x63: {  	_ =	shalt  }
0x64: {  	_ =	shalt  }
0x65: {  	_ =	shalt  }
0x66: {  	_ =	shalt  }
0x67: {  	_ =	shalt  }
0x68: {  	_ =	shalt  }
0x69: {  	_ =	shalt  }
0x6a: {  	_ =	shalt  }
0x6b: {  	_ =	shalt  }
0x6c: {  	_ =	shalt  }
0x6d: {  	_ =	shalt  }
0x6e: {  	_ =	shalt  }
0x6f: {  	_ =	shalt  }
0x70: {  	_ =	shalt  }
0x71: {  	_ =	shalt  }
0x72: {  	_ =	shalt  }
0x73: {  	_ =	shalt  }
0x74: {  	_ =	shalt  }
0x75: {  	_ =	shalt  }
0x76: {  	_ =	shalt  }
0x77: {  	_ =	shalt  }
0x78: {  	_ =	shalt  }
0x79: {  	_ =	shalt  }
0x7a: {  	_ =	shalt  }
0x7b: {  	_ =	shalt  }
0x7c: {  	_ =	shalt  }
0x7d: {  	_ =	shalt  }
0x7e: {  	_ =	shalt  }
0x7f: {  	_ =	shalt  }
0x80: {  	_ =	shalt  }
0x81: {  	_ =	shalt  }
0x82: {  	_ =	shalt  }
0x83: {  	_ =	shalt  }
0x84: {  	_ =	shalt  }
0x85: {  	_ =	shalt  }
0x86: {  	_ =	shalt  }
0x87: {  	_ =	shalt  }
.Lfunc_end0:
.L_simem_size_0:
called_computation.1_lowered:
.L_overlay_start_0:
0x88: {  	s2 =	sld [smem:$0x3FD9]  }
0x89: {  	s3 =	sld [smem:$0x3FFE];
	_ =	sdelay $0x1  }
0x8a: {  	s1 =	srdreg.scid  }
0x8b: {  	s0 =	sand.u32 $0x1, s1  }
0x8c: {  	s17 =	sshll.u32 s0, $0xA;
	s2 =	sadd.s32 s3, s2  }
0x8d: {  	s2 =	sadd.s32 s2, s17  }
0x8e: {  	[smem:$0x3FC3] =	sst s2  }
0x8f: {  	_ = 	snop  }
0x90: {  	s2 =	sld [smem:$0x3FD0];
	(tm) =	ssettm $0x1  }
0x91: {  	s18 =	sld [smem:$0x3FFB];
	_ =	sdelay $0x3  }
0x92: {  	_ =	strace s18  }
0x93: {  	s3 =	sld [smem:$0x3FFC];
	_ =	sdelay $0x3  }
0x94: {  	_ =	strace s3  }
0x95: {  	s3 =	sld [smem:$0x3FFD];
	_ =	sdelay $0x3  }
0x96: {  	_ =	strace s3  }
0x97: {  	_ =	strace $0x8FFFFFFF  }
0x98: {  	s19 =	sld [smem:$0x3FDB];
	_ =	sdelay $0x1  }
0x99: {  	s4 =	simm.s32 $_scs_section_size  }
0x9a: {  	s5 =	simm.s32 $_size__tile_overlayer_lowered;
	s6 =	simm.s32 $_tile_overlayer_lowered  }
0x9b: {  	s22 =	simm.s32 $0x1BFF;
	s21 =	sshll.u32 s6, $0x1;
	s3 =	sadd.s32 s4, s19  }
0x9c: {  	s7 =	simm.s32 $0x0;
	s20 =	sshll.u32 s5, $0x1;
	s5 =	sadd.s32 s21, s3  }
0x9d: {  	[timem:s7], [sflag:s22] =	dma.local [hbm:s5], s20  }
0x9e: {  	_ =	swait.ge [sflag:s22], s20  }
0x9f: {  	s4 =	ssub.s32 $0x0, s20;
	[sflag:s22] =	ssyncset.done $0x0  }
0xa0: {  	[sflag:s22] =	ssyncadd.s32 s4;
	_ =	sdelay $0x1  }
0xa1: {  	s23 =	simm.s32 $0x1B8B  }
0xa2: {  	_ =	swait.ge [sflag:s23], $0x1  }
0xa3: {  	[sflag:s23] =	ssyncset.done $0x0  }
0xa4: {  	s25 =	simm.s32 $0x1B8E;
	s24 =	sld [smem:$0x3FFE];
	[sflag:s23] =	ssyncadd.s32 $0xFFFFFFFF  }
0xa5: {  	s26 =	simm.s32 $execute0_lowered;
	[smem:$0x3FD2] =	sst s25  }
0xa6: {  	s5 =	sshll.u32 s26, $0x1;
	_ =	strace $0x80000049;
	[dreg:$0x1] =	wrdreg $0xFFFFFFFF  }
0xa7: {  	s28 =	simm.s32 $_size_execute0_lowered;
	s3 =	sadd.s32 s3, s5;
	[dreg:$0x0] =	wrdreg $0x0  }
0xa8: {  	s5 =	sshll.u32 s28, $0x1;
	[dreg:$0x2] =	wrdreg s3  }
0xa9: {  	[dreg:$0x3] =	wrdreg s5  }
0xaa: {  	[dreg:$0x4] =	wrdreg $0xC0  }
0xab: {  	_ =	task [dreg:s7], $0x5FFFF  }
0xac: {  	[dreg:$0x1] =	wrdreg $0xFFFFFFFF  }
0xad: {  	[dreg:$0x0] =	wrdreg $0x60  }
0xae: {  	[dreg:$0x2] =	wrdreg s24  }
0xaf: {  	[dreg:$0x3] =	wrdreg s2  }
0xb0: {  	[dreg:$0x4] =	wrdreg $0x9  }
0xb1: {  	_ =	task.clear_ibuf [dreg:s7], $0x5FFFF;
	_ =	strace $0x90000049  }
0xb2: {  	s29 =	simm.s32 $0x9;
	_ =	strace $0x8000004B  }
0xb3: {  	_ =	swait.ge [sflag:s29], $0x1  }
0xb4: {  	[sflag:s29] =	ssyncadd.s32 $0xFFFFFFFF  }
0xb5: {  	_ =	strace $0x9000004B  }
0xb6: {  	_ =	sfence  }
0xb7: {  	s30 =	sld [smem:$0x0];
	_ =	sdelay $0x2  }
0xb8: {  	s31 =	sshll.u32 s1, $0xD;
	s1 =	sshrl.u32 s1, $0x2  }
0xb9: {  	s3 =	sand.u32 $0x4000, s31;
	s1 =	sadd.s32 s1, s30  }
0xba: {  	s0 =	sor.u32 s3, s0;
	s1 =	sshll.u32 s1, $0x11  }
0xbb: {  	s0 =	sor.u32 s1, s0  }
0xbc: {  	s0 =	sadd.s32 $0x8F2B, s0  }
0xbd: {  	[sflag:s0] =	ssyncadd.remote.s32 $0x1  }
0xbe: {  	_ =	sfence.sel $0xFFFF  }
0xbf: {  	[dreg:$0x0] =	wrdreg $0xFFFFFFFF;
	(pc) =	sbr.abs _section_cstart, $3  }
0xc0: {  	[dreg:$0x1] =	wrdreg $0xFFFFFFFF  }
0xc1: {  	_ =	task.clear_ibuf [dreg:s7], $0x2FFFF;
	_ =	strace $0x9FFFFFFF  }
0xc2: {  	(tm) =	ssettm $0x7FFFFFFF  }
0xc3: {  	_ =	shalt  }
tec
execute0_lowered:
.L_overlay_start_1:
0x0: {  	(tag) =	ssettag $0x1  }
0x1: {  	s0 =	rddreg [dreg:$0x0]  }
0x2: {  	s5 =	rddreg [dreg:$0x1];
	s3 =	srdreg.scid  }
0x3: {  	s2 =	simm.s32 $0x0;
	s1 =	stileid.u32;
	s26 =	simm.s32 $0x880  }
0x4: {  	s10 =	simm.s32 $0x1880;
	s11 =	simm.s32 $0x2080;
	s12 =	simm.s32 $0x2880  }
0x5: {  	s13 =	simm.s32 $0x3080;
	s14 =	simm.s32 $0x3880;
	s15 =	simm.s32 $0x4080  }
0x6: {  	s16 =	simm.s32 $0x4880;
	s17 =	simm.s32 $0x5080;
	s18 =	simm.s32 $0x5880  }
0x7: {  	s19 =	simm.s32 $0x6080;
	s20 =	simm.s32 $0x6880;
	s21 =	simm.s32 $0x7080  }
0x8: {  	s22 =	simm.s32 $0x7880;
	s28 =	simm.s32 $0xA080;
	s29 =	simm.s32 $0xA880  }
0x9: {  	s30 =	simm.s32 $0xB080;
	s31 =	simm.s32 $0xB880;
	s3 =	sand.u32 $0x1, s3  }
0xa: {  	[smem:$0x7FF] =	sst s2;
	s4 =	sshll.u32 s1, $0x4;
	s6 =	sshll.u32 s3, $0x3  }
0xb: {  	_ =	strace $0x8000004A;
	s23 =	ssub.s32 $0x2, s3;
	s3 =	sadd.s32 $0xE00, s0  }
0xc: {  	[dreg:$0x5] =	wrdreg s26;
	s26 =	simm.s32 $0x9880;
	s4 =	sor.u32 s6, s4  }
0xd: {  	s8 =	sshrl.u32 s23, $0x1;
	s7 =	sadd.s32 s4, s0;
	s9 =	smul.u32 $0x300, s4  }
0xe: {  	s6 =	ssub.s32 s23, s8;
	s4 =	sadd.s32 $0xF00, s0;
	s8 =	simm.s32 $0x80  }
0xf: {  	s23 =	simm.s32 $0x8080;
	s24 =	sadd.s32 $0xC00, s7;
	s6 =	smax.u32 s6, $0x1  }
0x10: {  	v2 =	vlaneseq.u32;
	s7 =	simm.s32 $0x2;
	[dreg:$0x3] =	wrdreg s24;
	s25 =	sadd.s32 s5, s9  }
0x11: {  	vm0 =	vmmov $0xffff;
	v1 =	vshrl.u32 v2, $0x3;
	s5 =	sadd.s32 $0x1000, s0;
	s9 =	simm.s32 $0x1080;
	s24 =	simm.s32 $0x8880  }
0x12: {  	v0 =	vand.u32 $0x7, v2;
	v2 =	vor.u32 $0x8, v2;
	v1 =	vmul.u32 $0x8, v1;
	s0 =	simm.s32 $0x1;
	[dreg:$0x4] =	wrdreg s25;
	s25 =	simm.s32 $0x9080  }
.LBB2_1:
0x13: {  	s1 =	rddreg [dreg:$0x3]  }
0x14: {  	[tilespmem:s2], [sflag:$0x2] =	stream.linear.gather [hbm4b:s1+s2], $0x40, $0x38;
	[tilespmem:$0xC080] =	vst v63  }
0x15: {  	_ =	swait.ge [sflag:s7], $0x40  }
0x16: {  	[sflag:s7] =	ssyncset.done $0x0  }
0x17: {  	[sflag:s7] =	ssyncadd.s32 $0xFFFFFFC0  }
0x18: {  	v3 =	vld [tilespmem:$0x0];
	_ =	sdelay $0x4  }
0x19: {  	v4 =	vshrl.u32 v3, $0x3  }
0x1a: {  	v4 =	vmul.u32 $0x30, v4  }
0x1b: {  	v3 =	vand.u32 $0x7, v3  }
0x1c: {  	v3 =	vor.u32 v3, v4  }
0x1d: {  	v4 =	vperm.xlane v3, v0;
	_ =	sdelay $0x1  }
0x1e: {  	v4 =	vadd.s32 v1, v4;
	_ =	sdelay $0x3  }
0x1f: {  	v3 =	vperm.xlane v3, v2  }
0x20: {  	[tilespmem:s8], [sflag:$0x1] =	stream.indirect_vreg.gather [hbm4b:s3+s2], $0x80, v4, vm0, $0xb8;
	[tilespmem:$0xC080] =	vst v63  }
0x21: {  	s1 =	rddreg [dreg:$0x5];
	v3 =	vadd.s32 v1, v3  }
0x22: {  	[tilespmem:s1], [sflag:$0x1] =	stream.indirect_vreg.gather [hbm4b:s4+s2], $0x80, v4, vm0, $0xb8;
	[tilespmem:$0xC080] =	vst v63  }
0x23: {  	_ = 	snop  }
0x24: {  	[tilespmem:s9], [sflag:$0x1] =	stream.indirect_vreg.gather [hbm4b:s5+s2], $0x80, v4, vm0, $0xb8;
	[tilespmem:$0xC080] =	vst v63  }
0x25: {  	_ = 	snop  }
0x26: {  	[tilespmem:s10], [sflag:$0x1] =	stream.indirect_vreg.gather [hbm4b:s3+s2], $0x80, v3, vm0, $0xb8;
	[tilespmem:$0xC080] =	vst v63  }
0x27: {  	_ = 	snop  }
0x28: {  	[tilespmem:s11], [sflag:$0x1] =	stream.indirect_vreg.gather [hbm4b:s4+s2], $0x80, v3, vm0, $0xb8;
	[tilespmem:$0xC080] =	vst v63  }
0x29: {  	_ = 	snop  }
0x2a: {  	[tilespmem:s12], [sflag:$0x1] =	stream.indirect_vreg.gather [hbm4b:s5+s2], $0x80, v3, vm0, $0xb8;
	[tilespmem:$0xC080] =	vst v63  }
0x2b: {  	v3 =	vld [tilespmem:$0x10];
	_ =	sdelay $0x4  }
0x2c: {  	v61 =	vshrl.u32 v3, $0x3  }
0x2d: {  	v4 =	vmul.u32 $0x30, v61  }
0x2e: {  	v3 =	vand.u32 $0x7, v3  }
0x2f: {  	v3 =	vor.u32 v3, v4  }
0x30: {  	v4 =	vperm.xlane v3, v0;
	_ =	sdelay $0x1  }
0x31: {  	v4 =	vadd.s32 v1, v4;
	_ =	sdelay $0x3  }
0x32: {  	v3 =	vperm.xlane v3, v2  }
0x33: {  	[tilespmem:s13], [sflag:$0x1] =	stream.indirect_vreg.gather [hbm4b:s3+s2], $0x80, v4, vm0, $0xb8;
	[tilespmem:$0xC080] =	vst v63  }
0x34: {  	v3 =	vadd.s32 v1, v3  }
0x35: {  	[tilespmem:s14], [sflag:$0x1] =	stream.indirect_vreg.gather [hbm4b:s4+s2], $0x80, v4, vm0, $0xb8;
	[tilespmem:$0xC080] =	vst v63  }
0x36: {  	_ = 	snop  }
0x37: {  	[tilespmem:s15], [sflag:$0x1] =	stream.indirect_vreg.gather [hbm4b:s5+s2], $0x80, v4, vm0, $0xb8;
	[tilespmem:$0xC080] =	vst v63  }
0x38: {  	_ = 	snop  }
0x39: {  	[tilespmem:s16], [sflag:$0x1] =	stream.indirect_vreg.gather [hbm4b:s3+s2], $0x80, v3, vm0, $0xb8;
	[tilespmem:$0xC080] =	vst v63  }
0x3a: {  	_ = 	snop  }
0x3b: {  	[tilespmem:s17], [sflag:$0x1] =	stream.indirect_vreg.gather [hbm4b:s4+s2], $0x80, v3, vm0, $0xb8;
	[tilespmem:$0xC080] =	vst v63  }
0x3c: {  	_ = 	snop  }
0x3d: {  	[tilespmem:s18], [sflag:$0x1] =	stream.indirect_vreg.gather [hbm4b:s5+s2], $0x80, v3, vm0, $0xb8;
	[tilespmem:$0xC080] =	vst v63  }
0x3e: {  	v3 =	vld [tilespmem:$0x20];
	_ =	sdelay $0x4  }
0x3f: {  	v62 =	vshrl.u32 v3, $0x3  }
0x40: {  	v4 =	vmul.u32 $0x30, v62  }
0x41: {  	v3 =	vand.u32 $0x7, v3  }
0x42: {  	v3 =	vor.u32 v3, v4  }
0x43: {  	v4 =	vperm.xlane v3, v0;
	_ =	sdelay $0x1  }
0x44: {  	v4 =	vadd.s32 v1, v4;
	_ =	sdelay $0x3  }
0x45: {  	v3 =	vperm.xlane v3, v2  }
0x46: {  	[tilespmem:s19], [sflag:$0x1] =	stream.indirect_vreg.gather [hbm4b:s3+s2], $0x80, v4, vm0, $0xb8;
	[tilespmem:$0xC080] =	vst v63  }
0x47: {  	v3 =	vadd.s32 v1, v3  }
0x48: {  	[tilespmem:s20], [sflag:$0x1] =	stream.indirect_vreg.gather [hbm4b:s4+s2], $0x80, v4, vm0, $0xb8;
	[tilespmem:$0xC080] =	vst v63  }
0x49: {  	_ = 	snop  }
0x4a: {  	[tilespmem:s21], [sflag:$0x1] =	stream.indirect_vreg.gather [hbm4b:s5+s2], $0x80, v4, vm0, $0xb8;
	[tilespmem:$0xC080] =	vst v63  }
0x4b: {  	_ = 	snop  }
0x4c: {  	[tilespmem:s22], [sflag:$0x1] =	stream.indirect_vreg.gather [hbm4b:s3+s2], $0x80, v3, vm0, $0xb8;
	[tilespmem:$0xC080] =	vst v63  }
0x4d: {  	_ = 	snop  }
0x4e: {  	[tilespmem:s23], [sflag:$0x1] =	stream.indirect_vreg.gather [hbm4b:s4+s2], $0x80, v3, vm0, $0xb8;
	[tilespmem:$0xC080] =	vst v63  }
0x4f: {  	_ = 	snop  }
0x50: {  	[tilespmem:s24], [sflag:$0x1] =	stream.indirect_vreg.gather [hbm4b:s5+s2], $0x80, v3, vm0, $0xb8;
	[tilespmem:$0xC080] =	vst v63  }
0x51: {  	v3 =	vld [tilespmem:$0x30];
	_ =	sdelay $0x4  }
0x52: {  	v63 =	vshrl.u32 v3, $0x3  }
0x53: {  	v4 =	vmul.u32 $0x30, v63  }
0x54: {  	v3 =	vand.u32 $0x7, v3  }
0x55: {  	v3 =	vor.u32 v3, v4  }
0x56: {  	v4 =	vperm.xlane v3, v0;
	_ =	sdelay $0x1  }
0x57: {  	v4 =	vadd.s32 v1, v4;
	_ =	sdelay $0x3  }
0x58: {  	v3 =	vperm.xlane v3, v2  }
0x59: {  	[tilespmem:s25], [sflag:$0x1] =	stream.indirect_vreg.gather [hbm4b:s3+s2], $0x80, v4, vm0, $0xb8;
	[tilespmem:$0xC080] =	vst v63  }
0x5a: {  	v3 =	vadd.s32 v1, v3  }
0x5b: {  	[tilespmem:s26], [sflag:$0x1] =	stream.indirect_vreg.gather [hbm4b:s4+s2], $0x80, v4, vm0, $0xb8;
	[tilespmem:$0xC080] =	vst v63  }
0x5c: {  	_ = 	snop  }
0x5d: {  	[tilespmem:s28], [sflag:$0x1] =	stream.indirect_vreg.gather [hbm4b:s5+s2], $0x80, v4, vm0, $0xb8;
	[tilespmem:$0xC080] =	vst v63  }
0x5e: {  	_ = 	snop  }
0x5f: {  	[tilespmem:s29], [sflag:$0x1] =	stream.indirect_vreg.gather [hbm4b:s3+s2], $0x80, v3, vm0, $0xb8;
	[tilespmem:$0xC080] =	vst v63  }
0x60: {  	_ = 	snop  }
0x61: {  	[tilespmem:s30], [sflag:$0x1] =	stream.indirect_vreg.gather [hbm4b:s4+s2], $0x80, v3, vm0, $0xb8;
	[tilespmem:$0xC080] =	vst v63  }
0x62: {  	_ = 	snop  }
0x63: {  	[tilespmem:s31], [sflag:$0x1] =	stream.indirect_vreg.gather [hbm4b:s5+s2], $0x80, v3, vm0, $0xb8;
	[tilespmem:$0xC080] =	vst v63  }
0x64: {  	_ =	swait.ge [sflag:s0], $0xC000  }
0x65: {  	p0 =	sne.s32 s6, $0x1;
	[sflag:s0] =	ssyncset.done $0x0  }
.Ltmp0:
0x66: {  	s1 =	rddreg [dreg:$0x4];
	[sflag:s0] =	ssyncadd.s32 $0xFFFF4000;
	(pc) =	sbr.rel @p0 .LBB2_1-.Ltmp0, $4  }
0x67: {  	[hbm4b:s1+s2] =	stream.linear.scatter [tilespmem:s8], [sflag:$0x2], $0xC000, $0x38;
	[tilespmem:$0xC080] =	vst v63  }
0x68: {  	_ =	swait.ge [sflag:s7], $0xC000  }
0x69: {  	[sflag:s7] =	ssyncset.done $0x0  }
0x6a: {  	s6 =	sadd.s32 $0xFFFFFFFF, s6;
	[sflag:s7] =	ssyncadd.s32 $0xFFFF4000  }
0x6b: {  	_ =	sfence.sel $0x180000  }
0x6c: {  	[bflag:$0x0] =	sbarrier.arrive $0xFFFF  }
0x6d: {  	_ =	strace $0x9000004A  }
0x6e: {  	s0 =	stileid.u32;
	[bflag:$0x2] =	sbarrier.arrive $0xFFFF  }
0x6f: {  	p0 =	sne.s32 s0, $0x0;
	s0 =	rddreg [dreg:$0x2]  }
0x70: {  	s0 =	sadd.s32 @!p0 $0x100000, s0  }
0x71: {  	[sflag:s0] =	ssyncadd.tile.s32 @!p0 $0x1;
	_ =	shalt  }
.Lfunc_end2:
_tile_overlayer_lowered:
.L_overlay_start_2:
0x72: {  	(tag) =	ssettag $0x2  }
0x73: {  	s0 =	rddreg [dreg:$0x0];
	s2 =	stileid.u32  }
0x74: {  	s1 =	rddreg [dreg:$0x1];
	p0 =	sne.s32 s2, $0x0  }
0x75: {  	s3 =	rddreg [dreg:$0x2];
	[bflag:$0x3] =	sbarrier.arrive $0xFFFF;
	s2 =	simm.s32 @!p0 $0x1C02  }
0x76: {  	[timem:s3], [sflag:s2] =	dma.local @!p0 [hbm:s0], s1  }
0x77: {  	s0 =	simm.s32 @!p0 $0x2  }
0x78: {  	_ =	swait.ge @!p0 [sflag:s0], s1  }
0x79: {  	s1 =	ssub.s32 @!p0 $0x0, s1;
	[sflag:s0] =	ssyncset.done @!p0 $0x0  }
0x7a: {  	[sflag:s0] =	ssyncadd.s32 @!p0 s1  }
0x7b: {  	[bflag:$0x3] =	sbarrier.arrive $0xFFFF  }
0x7c: {  	_ =	shalt  }

</sc_bundles>
